<compile_context>
chip_gen: v7x
topology: tpu7x:2x2x1
jax: 0.10.2.dev20260603
libtpu: 0.0.44.dev20260713+nightly
codegen_flags: <defaults>
</compile_context>

<pallas_src>
import functools

import jax
import jax.numpy as jnp
from jax import lax
from jax.experimental import pallas as pl
from jax.experimental.pallas import tpu as pltpu
from jax.experimental.pallas import tpu_sc as plsc


def _mlp_on_table(table, W1, b1, W2, b2, n_pad):
    n, d = table.shape

    def body(table_ref, w1_ref, b1_ref, w2_ref, b2_ref, out_ref):
        h = jnp.dot(table_ref[...], w1_ref[...], preferred_element_type=jnp.float32)
        h = h + b1_ref[...]
        h = h * jax.nn.sigmoid(h)
        o = jnp.dot(h, w2_ref[...], preferred_element_type=jnp.float32)
        o = o + b2_ref[...]
        out_ref[0:n, :] = o * jax.nn.sigmoid(o)

    return pl.pallas_call(
        body,
        out_shape=jax.ShapeDtypeStruct((n_pad, W2.shape[1]), jnp.float32),
    )(table, W1, b1.reshape(1, -1), W2, b2.reshape(1, -1))


def _make_gather(V, D, B):
    info = plsc.get_sparse_core_info()
    NC, NS = info.num_cores, info.num_subcores
    NW = NC * NS
    assert B % (8 * NW) == 0
    assert V % NS == 0
    v_per_s = V // NS
    b_per_w = B // NW
    C = 64
    NCH = b_per_w // C
    mesh = plsc.VectorSubcoreMesh(core_axis_name="c", subcore_axis_name="s")

    @functools.partial(
        pl.kernel,
        mesh=mesh,
        out_type=jax.ShapeDtypeStruct((B, D), jnp.float32),
        scratch_types=[
            pltpu.VMEM((b_per_w,), jnp.int32),
            pltpu.VMEM((b_per_w, D), jnp.float32),
            pltpu.VMEM_SHARED((V, D), jnp.float32),
        ]
        + [pltpu.SemaphoreType.DMA] * (b_per_w // C)
        + [pltpu.SemaphoreType.DMA],
    )
    def gather(table_hbm, idx_hbm, out_hbm, idx_v, rows_v, table_sp, *sems):
        gsem = sems[:-1]
        wsem = sems[-1]
        sid = lax.axis_index("s")
        wid = sid * NC + lax.axis_index("c")
        base = wid * b_per_w
        st = pltpu.async_copy(
            table_hbm.at[pl.ds(sid * v_per_s, v_per_s)],
            table_sp.at[pl.ds(sid * v_per_s, v_per_s)],
            gsem[0],
        )
        ix = pltpu.async_copy(idx_hbm.at[pl.ds(base, b_per_w)], idx_v, gsem[1])
        st.wait()
        ix.wait()
        plsc.subcore_barrier()

        g = [
            pltpu.async_copy(
                table_sp.at[idx_v.at[pl.ds(j * C, C)]],
                rows_v.at[pl.ds(j * C, C)],
                gsem[j],
            )
            for j in range(NCH)
        ]
        w = []
        for j in range(NCH):
            g[j].wait()
            w.append(
                pltpu.async_copy(
                    rows_v.at[pl.ds(j * C, C)],
                    out_hbm.at[pl.ds(base + j * C, C)],
                    wsem,
                )
            )
        for c in w:
            c.wait()

    return gather


def kernel(table, W1, b1, W2, b2, diffusion_step):
    n = table.shape[0]
    n_pad = (n + 127) // 128 * 128
    t2 = _mlp_on_table(table, W1, b1, W2, b2, n_pad)
    B = diffusion_step.shape[0]
    V, D = t2.shape
    idx = diffusion_step.astype(jnp.int32)
    return _make_gather(V, D, B)(t2, idx)

# --- scband reference (transcript-rebuilt; emitter-appended) ---
"""Pipeline reference for scband-diffusion-embedding-79791902425246 (READ-ONLY COPY).

The authoritative reference and input builder live on the scoring server;
editing this copy changes nothing except your own understanding.
"""

import jax, jax.numpy as jnp
import numpy as np


def _build_embedding(num_steps, dim):
    steps = jnp.arange(num_steps, dtype=jnp.float32)[:, None]
    frequencies = (10.0 ** (jnp.arange(dim, dtype=jnp.float32) / (dim - 1) * 4.0))[None, :]
    table = steps * frequencies
    table = jnp.concatenate([jnp.sin(table), jnp.cos(table)], axis=1)
    return table


def setup_inputs(seed: int = 0) -> dict:
    key = jax.random.key(seed)
    k1, k2, k3, k4, k5 = jax.random.split(key, 5)
    B = 16384
    num_steps = 1000
    embedding_dim = 128
    projection_dim = 128
    diffusion_step = jax.random.randint(k1, (B,), 0, num_steps, dtype=jnp.int64 if jax.config.jax_enable_x64 else jnp.int32)
    table = _build_embedding(num_steps, embedding_dim // 2)
    s1 = 1.0 / np.sqrt(embedding_dim)
    W1 = jax.random.uniform(k2, (embedding_dim, projection_dim), minval=-s1, maxval=s1, dtype=jnp.float32)
    b1 = jax.random.uniform(k3, (projection_dim,), minval=-s1, maxval=s1, dtype=jnp.float32)
    s2 = 1.0 / np.sqrt(projection_dim)
    W2 = jax.random.uniform(k4, (projection_dim, projection_dim), minval=-s2, maxval=s2, dtype=jnp.float32)
    b2 = jax.random.uniform(k5, (projection_dim,), minval=-s2, maxval=s2, dtype=jnp.float32)
    return {"table": table, "W1": W1, "b1": b1, "W2": W2, "b2": b2, "diffusion_step": diffusion_step}


def reference(table, W1, b1, W2, b2, diffusion_step):
    # embedding lookup (gather)
    out = jnp.take(table, diffusion_step, axis=0)
    # Linear -> SiLU -> Linear -> SiLU
    out = out @ W1 + b1
    out = out * jax.nn.sigmoid(out)
    out = out @ W2 + b2
    out = out * jax.nn.sigmoid(out)
    return out

if __name__ == "__main__":
    import jax
    _d = setup_inputs()
    print(jax.jit(kernel)(*tuple(_d.values())))

</pallas_src>

<mosaic_0001>
#map = affine_map<(d0, d1) -> (0, 0)>
#map1 = affine_map<(d0, d1) -> (0)>
module attributes {stable_mosaic.version = 14 : i64} {
  func.func @gather(%arg0: i32, %arg1: i32, %arg2: memref<1024x128xf32, #tpu.memory_space<hbm>>, %arg3: memref<16384xi32, #tpu.memory_space<hbm>>, %arg4: memref<16384x128xf32, #tpu.memory_space<hbm>>, %arg5: memref<512xi32, #tpu.memory_space<vmem>>, %arg6: memref<512x128xf32, #tpu.memory_space<vmem>>, %arg7: memref<1024x128xf32, #tpu.memory_space<vmem_shared>>, %arg8: memref<!tpu.dma_semaphore, #tpu.memory_space<semaphore_mem>>, %arg9: memref<!tpu.dma_semaphore, #tpu.memory_space<semaphore_mem>>, %arg10: memref<!tpu.dma_semaphore, #tpu.memory_space<semaphore_mem>>, %arg11: memref<!tpu.dma_semaphore, #tpu.memory_space<semaphore_mem>>, %arg12: memref<!tpu.dma_semaphore, #tpu.memory_space<semaphore_mem>>, %arg13: memref<!tpu.dma_semaphore, #tpu.memory_space<semaphore_mem>>, %arg14: memref<!tpu.dma_semaphore, #tpu.memory_space<semaphore_mem>>, %arg15: memref<!tpu.dma_semaphore, #tpu.memory_space<semaphore_mem>>, %arg16: memref<!tpu.dma_semaphore, #tpu.memory_space<semaphore_mem>>) attributes {dimension_semantics = [#tpu.dimension_semantics<core_parallel>, #tpu.dimension_semantics<subcore_parallel>], iteration_bounds = array<i64: 2, 16>, scalar_prefetch = 0 : i64, scratch_operands = 12 : i64, tpu.core_type = #tpu.core_type<sc_vector_subcore>, window_params = [{transform_indices = #map}, {transform_indices = #map1}, {transform_indices = #map}]} {
    %mul3A = arith.constant 2 : i32
    %mul3A_0 = arith.muli %arg1, %mul3A : i32
    %add3A = arith.addi %mul3A_0, %arg0 : i32
    %mul3A_1 = arith.constant 512 : i32
    %mul3A_2 = arith.muli %add3A, %mul3A_1 : i32
    %mul3A_3 = arith.constant 64 : i32
    %mul3A_4 = arith.muli %arg1, %mul3A_3 : i32
    %mul3A_5 = arith.constant 64 : i32
    %mul3A_6 = arith.muli %arg1, %mul3A_5 : i32
    %dma_start3A = arith.constant 0 : i32
    %dma_start3A_7 = tpu.memref_slice %arg7[%mul3A_6, %dma_start3A] : memref<1024x128xf32, #tpu.memory_space<vmem_shared>> -> memref<64x128xf32, #tpu.memory_space<vmem_shared>>
    %dma_start3A_8 = arith.constant 0 : i32
    %dma_start3A_9 = tpu.memref_slice %arg2[%mul3A_4, %dma_start3A_8] : memref<1024x128xf32, #tpu.memory_space<hbm>> -> memref<64x128xf32, #tpu.memory_space<hbm>>
    tpu.enqueue_dma source(%dma_start3A_9 : memref<64x128xf32, #tpu.memory_space<hbm>>) target(%dma_start3A_7 : memref<64x128xf32, #tpu.memory_space<vmem_shared>>) target_semaphore(%arg8 : memref<!tpu.dma_semaphore, #tpu.memory_space<semaphore_mem>>)
    %dma_start3A_10 = tpu.memref_slice %arg3[%mul3A_2] : memref<16384xi32, #tpu.memory_space<hbm>> -> memref<512xi32, #tpu.memory_space<hbm>>
    %dma_start3A_11 = tpu.memref_slice %arg3[%mul3A_2] : memref<16384xi32, #tpu.memory_space<hbm>> -> memref<512xi32, #tpu.memory_space<hbm>>
    tpu.enqueue_dma source(%dma_start3A_11 : memref<512xi32, #tpu.memory_space<hbm>>) target(%arg5 : memref<512xi32, #tpu.memory_space<vmem>>) target_semaphore(%arg9 : memref<!tpu.dma_semaphore, #tpu.memory_space<semaphore_mem>>)
    %dma_wait3A = arith.constant 0 : i32
    %dma_wait3A_12 = tpu.memref_slice %arg7[%mul3A_6, %dma_wait3A] : memref<1024x128xf32, #tpu.memory_space<vmem_shared>> -> memref<64x128xf32, #tpu.memory_space<vmem_shared>>
    %dma_wait3A_13 = arith.constant 0 : i32
    %dma_wait3A_14 = tpu.memref_slice %arg2[%mul3A_4, %dma_wait3A_13] : memref<1024x128xf32, #tpu.memory_space<hbm>> -> memref<64x128xf32, #tpu.memory_space<hbm>>
    tpu.wait_dma2 semaphore(%arg8 : memref<!tpu.dma_semaphore, #tpu.memory_space<semaphore_mem>>) src(%dma_wait3A_14 : memref<64x128xf32, #tpu.memory_space<hbm>>) dst(%dma_wait3A_12 : memref<64x128xf32, #tpu.memory_space<vmem_shared>>)
    %dma_wait3A_15 = tpu.memref_slice %arg3[%mul3A_2] : memref<16384xi32, #tpu.memory_space<hbm>> -> memref<512xi32, #tpu.memory_space<hbm>>
    %dma_wait3A_16 = tpu.memref_slice %arg3[%mul3A_2] : memref<16384xi32, #tpu.memory_space<hbm>> -> memref<512xi32, #tpu.memory_space<hbm>>
    tpu.wait_dma2 semaphore(%arg9 : memref<!tpu.dma_semaphore, #tpu.memory_space<semaphore_mem>>) src(%dma_wait3A_16 : memref<512xi32, #tpu.memory_space<hbm>>) dst(%arg5 : memref<512xi32, #tpu.memory_space<vmem>>)
    %barrier3A = arith.constant 0 : index
    tpu.barrier barrier_id(%barrier3A)
    %dma_start3A_17 = arith.constant 0 : i32
    %dma_start3A_18 = arith.constant 0 : i32
    %dma_start3A_19 = tpu.memref_slice %arg6[%dma_start3A_17, %dma_start3A_18] : memref<512x128xf32, #tpu.memory_space<vmem>> -> memref<64x128xf32, #tpu.memory_space<vmem>>
    %dma_start3A_20 = arith.constant 0 : i32
    %dma_start3A_21 = tpu.memref_slice %arg5[%dma_start3A_20] : memref<512xi32, #tpu.memory_space<vmem>> -> memref<64xi32, #tpu.memory_space<vmem>>
    %dma_start3A_22 = arith.constant 0 : i32
    %dma_start3A_23 = arith.constant 0 : i32
    %dma_start3A_24 = tpu.memref_slice %arg7[%dma_start3A_22, %dma_start3A_23] : memref<1024x128xf32, #tpu.memory_space<vmem_shared>> -> memref<1024x128xf32, #tpu.memory_space<vmem_shared>>
    tpu.enqueue_indirect_dma source(%dma_start3A_24 : memref<1024x128xf32, #tpu.memory_space<vmem_shared>>) target(%dma_start3A_19 : memref<64x128xf32, #tpu.memory_space<vmem>>) offsets(%dma_start3A_21 : memref<64xi32, #tpu.memory_space<vmem>>) semaphore(%arg8 : memref<!tpu.dma_semaphore, #tpu.memory_space<semaphore_mem>>)
    %dma_start3A_25 = arith.constant 64 : i32
    %dma_start3A_26 = arith.constant 0 : i32
    %dma_start3A_27 = tpu.memref_slice %arg6[%dma_start3A_25, %dma_start3A_26] : memref<512x128xf32, #tpu.memory_space<vmem>> -> memref<64x128xf32, #tpu.memory_space<vmem>>
    %dma_start3A_28 = arith.constant 64 : i32
    %dma_start3A_29 = tpu.memref_slice %arg5[%dma_start3A_28] : memref<512xi32, #tpu.memory_space<vmem>> -> memref<64xi32, #tpu.memory_space<vmem>>
    %dma_start3A_30 = arith.constant 0 : i32
    %dma_start3A_31 = arith.constant 0 : i32
    %dma_start3A_32 = tpu.memref_slice %arg7[%dma_start3A_30, %dma_start3A_31] : memref<1024x128xf32, #tpu.memory_space<vmem_shared>> -> memref<1024x128xf32, #tpu.memory_space<vmem_shared>>
    tpu.enqueue_indirect_dma source(%dma_start3A_32 : memref<1024x128xf32, #tpu.memory_space<vmem_shared>>) target(%dma_start3A_27 : memref<64x128xf32, #tpu.memory_space<vmem>>) offsets(%dma_start3A_29 : memref<64xi32, #tpu.memory_space<vmem>>) semaphore(%arg9 : memref<!tpu.dma_semaphore, #tpu.memory_space<semaphore_mem>>)
    %dma_start3A_33 = arith.constant 128 : i32
    %dma_start3A_34 = arith.constant 0 : i32
    %dma_start3A_35 = tpu.memref_slice %arg6[%dma_start3A_33, %dma_start3A_34] : memref<512x128xf32, #tpu.memory_space<vmem>> -> memref<64x128xf32, #tpu.memory_space<vmem>>
    %dma_start3A_36 = arith.constant 128 : i32
    %dma_start3A_37 = tpu.memref_slice %arg5[%dma_start3A_36] : memref<512xi32, #tpu.memory_space<vmem>> -> memref<64xi32, #tpu.memory_space<vmem>>
    %dma_start3A_38 = arith.constant 0 : i32
    %dma_start3A_39 = arith.constant 0 : i32
    %dma_start3A_40 = tpu.memref_slice %arg7[%dma_start3A_38, %dma_start3A_39] : memref<1024x128xf32, #tpu.memory_space<vmem_shared>> -> memref<1024x128xf32, #tpu.memory_space<vmem_shared>>
    tpu.enqueue_indirect_dma source(%dma_start3A_40 : memref<1024x128xf32, #tpu.memory_space<vmem_shared>>) target(%dma_start3A_35 : memref<64x128xf32, #tpu.memory_space<vmem>>) offsets(%dma_start3A_37 : memref<64xi32, #tpu.memory_space<vmem>>) semaphore(%arg10 : memref<!tpu.dma_semaphore, #tpu.memory_space<semaphore_mem>>)
    %dma_start3A_41 = arith.constant 192 : i32
    %dma_start3A_42 = arith.constant 0 : i32
    %dma_start3A_43 = tpu.memref_slice %arg6[%dma_start3A_41, %dma_start3A_42] : memref<512x128xf32, #tpu.memory_space<vmem>> -> memref<64x128xf32, #tpu.memory_space<vmem>>
    %dma_start3A_44 = arith.constant 192 : i32
    %dma_start3A_45 = tpu.memref_slice %arg5[%dma_start3A_44] : memref<512xi32, #tpu.memory_space<vmem>> -> memref<64xi32, #tpu.memory_space<vmem>>
    %dma_start3A_46 = arith.constant 0 : i32
    %dma_start3A_47 = arith.constant 0 : i32
    %dma_start3A_48 = tpu.memref_slice %arg7[%dma_start3A_46, %dma_start3A_47] : memref<1024x128xf32, #tpu.memory_space<vmem_shared>> -> memref<1024x128xf32, #tpu.memory_space<vmem_shared>>
    tpu.enqueue_indirect_dma source(%dma_start3A_48 : memref<1024x128xf32, #tpu.memory_space<vmem_shared>>) target(%dma_start3A_43 : memref<64x128xf32, #tpu.memory_space<vmem>>) offsets(%dma_start3A_45 : memref<64xi32, #tpu.memory_space<vmem>>) semaphore(%arg11 : memref<!tpu.dma_semaphore, #tpu.memory_space<semaphore_mem>>)
    %dma_start3A_49 = arith.constant 256 : i32
    %dma_start3A_50 = arith.constant 0 : i32
    %dma_start3A_51 = tpu.memref_slice %arg6[%dma_start3A_49, %dma_start3A_50] : memref<512x128xf32, #tpu.memory_space<vmem>> -> memref<64x128xf32, #tpu.memory_space<vmem>>
    %dma_start3A_52 = arith.constant 256 : i32
    %dma_start3A_53 = tpu.memref_slice %arg5[%dma_start3A_52] : memref<512xi32, #tpu.memory_space<vmem>> -> memref<64xi32, #tpu.memory_space<vmem>>
    %dma_start3A_54 = arith.constant 0 : i32
    %dma_start3A_55 = arith.constant 0 : i32
    %dma_start3A_56 = tpu.memref_slice %arg7[%dma_start3A_54, %dma_start3A_55] : memref<1024x128xf32, #tpu.memory_space<vmem_shared>> -> memref<1024x128xf32, #tpu.memory_space<vmem_shared>>
    tpu.enqueue_indirect_dma source(%dma_start3A_56 : memref<1024x128xf32, #tpu.memory_space<vmem_shared>>) target(%dma_start3A_51 : memref<64x128xf32, #tpu.memory_space<vmem>>) offsets(%dma_start3A_53 : memref<64xi32, #tpu.memory_space<vmem>>) semaphore(%arg12 : memref<!tpu.dma_semaphore, #tpu.memory_space<semaphore_mem>>)
    %dma_start3A_57 = arith.constant 320 : i32
    %dma_start3A_58 = arith.constant 0 : i32
    %dma_start3A_59 = tpu.memref_slice %arg6[%dma_start3A_57, %dma_start3A_58] : memref<512x128xf32, #tpu.memory_space<vmem>> -> memref<64x128xf32, #tpu.memory_space<vmem>>
    %dma_start3A_60 = arith.constant 320 : i32
    %dma_start3A_61 = tpu.memref_slice %arg5[%dma_start3A_60] : memref<512xi32, #tpu.memory_space<vmem>> -> memref<64xi32, #tpu.memory_space<vmem>>
    %dma_start3A_62 = arith.constant 0 : i32
    %dma_start3A_63 = arith.constant 0 : i32
    %dma_start3A_64 = tpu.memref_slice %arg7[%dma_start3A_62, %dma_start3A_63] : memref<1024x128xf32, #tpu.memory_space<vmem_shared>> -> memref<1024x128xf32, #tpu.memory_space<vmem_shared>>
    tpu.enqueue_indirect_dma source(%dma_start3A_64 : memref<1024x128xf32, #tpu.memory_space<vmem_shared>>) target(%dma_start3A_59 : memref<64x128xf32, #tpu.memory_space<vmem>>) offsets(%dma_start3A_61 : memref<64xi32, #tpu.memory_space<vmem>>) semaphore(%arg13 : memref<!tpu.dma_semaphore, #tpu.memory_space<semaphore_mem>>)
    %dma_start3A_65 = arith.constant 384 : i32
    %dma_start3A_66 = arith.constant 0 : i32
    %dma_start3A_67 = tpu.memref_slice %arg6[%dma_start3A_65, %dma_start3A_66] : memref<512x128xf32, #tpu.memory_space<vmem>> -> memref<64x128xf32, #tpu.memory_space<vmem>>
    %dma_start3A_68 = arith.constant 384 : i32
    %dma_start3A_69 = tpu.memref_slice %arg5[%dma_start3A_68] : memref<512xi32, #tpu.memory_space<vmem>> -> memref<64xi32, #tpu.memory_space<vmem>>
    %dma_start3A_70 = arith.constant 0 : i32
    %dma_start3A_71 = arith.constant 0 : i32
    %dma_start3A_72 = tpu.memref_slice %arg7[%dma_start3A_70, %dma_start3A_71] : memref<1024x128xf32, #tpu.memory_space<vmem_shared>> -> memref<1024x128xf32, #tpu.memory_space<vmem_shared>>
    tpu.enqueue_indirect_dma source(%dma_start3A_72 : memref<1024x128xf32, #tpu.memory_space<vmem_shared>>) target(%dma_start3A_67 : memref<64x128xf32, #tpu.memory_space<vmem>>) offsets(%dma_start3A_69 : memref<64xi32, #tpu.memory_space<vmem>>) semaphore(%arg14 : memref<!tpu.dma_semaphore, #tpu.memory_space<semaphore_mem>>)
    %dma_start3A_73 = arith.constant 448 : i32
    %dma_start3A_74 = arith.constant 0 : i32
    %dma_start3A_75 = tpu.memref_slice %arg6[%dma_start3A_73, %dma_start3A_74] : memref<512x128xf32, #tpu.memory_space<vmem>> -> memref<64x128xf32, #tpu.memory_space<vmem>>
    %dma_start3A_76 = arith.constant 448 : i32
    %dma_start3A_77 = tpu.memref_slice %arg5[%dma_start3A_76] : memref<512xi32, #tpu.memory_space<vmem>> -> memref<64xi32, #tpu.memory_space<vmem>>
    %dma_start3A_78 = arith.constant 0 : i32
    %dma_start3A_79 = arith.constant 0 : i32
    %dma_start3A_80 = tpu.memref_slice %arg7[%dma_start3A_78, %dma_start3A_79] : memref<1024x128xf32, #tpu.memory_space<vmem_shared>> -> memref<1024x128xf32, #tpu.memory_space<vmem_shared>>
    tpu.enqueue_indirect_dma source(%dma_start3A_80 : memref<1024x128xf32, #tpu.memory_space<vmem_shared>>) target(%dma_start3A_75 : memref<64x128xf32, #tpu.memory_space<vmem>>) offsets(%dma_start3A_77 : memref<64xi32, #tpu.memory_space<vmem>>) semaphore(%arg15 : memref<!tpu.dma_semaphore, #tpu.memory_space<semaphore_mem>>)
    %dma_wait3A_81 = arith.constant 0 : i32
    %dma_wait3A_82 = arith.constant 0 : i32
    %dma_wait3A_83 = tpu.memref_slice %arg6[%dma_wait3A_81, %dma_wait3A_82] : memref<512x128xf32, #tpu.memory_space<vmem>> -> memref<64x128xf32, #tpu.memory_space<vmem>>
    %dma_wait3A_84 = arith.constant 0 : i32
    %dma_wait3A_85 = tpu.memref_slice %arg5[%dma_wait3A_84] : memref<512xi32, #tpu.memory_space<vmem>> -> memref<64xi32, #tpu.memory_space<vmem>>
    %dma_wait3A_86 = arith.constant 0 : i32
    %dma_wait3A_87 = arith.constant 0 : i32
    %dma_wait3A_88 = tpu.memref_slice %arg7[%dma_wait3A_86, %dma_wait3A_87] : memref<1024x128xf32, #tpu.memory_space<vmem_shared>> -> memref<1024x128xf32, #tpu.memory_space<vmem_shared>>
    tpu.wait_indirect_dma semaphore(%arg8 : memref<!tpu.dma_semaphore, #tpu.memory_space<semaphore_mem>>) src(%dma_wait3A_88 : memref<1024x128xf32, #tpu.memory_space<vmem_shared>>) dst(%dma_wait3A_83 : memref<64x128xf32, #tpu.memory_space<vmem>>)
    %add3A_89 = arith.constant 0 : i32
    %add3A_90 = arith.addi %mul3A_2, %add3A_89 : i32
    %dma_start3A_91 = arith.constant 0 : i32
    %dma_start3A_92 = arith.constant 0 : i32
    %dma_start3A_93 = tpu.memref_slice %arg6[%dma_start3A_91, %dma_start3A_92] : memref<512x128xf32, #tpu.memory_space<vmem>> -> memref<64x128xf32, #tpu.memory_space<vmem>>
    %dma_start3A_94 = arith.constant 0 : i32
    %dma_start3A_95 = tpu.memref_slice %arg4[%add3A_90, %dma_start3A_94] : memref<16384x128xf32, #tpu.memory_space<hbm>> -> memref<64x128xf32, #tpu.memory_space<hbm>>
    %dma_start3A_96 = arith.constant 0 : i32
    %dma_start3A_97 = tpu.memref_slice %arg4[%add3A_90, %dma_start3A_96] : memref<16384x128xf32, #tpu.memory_space<hbm>> -> memref<64x128xf32, #tpu.memory_space<hbm>>
    %dma_start3A_98 = arith.constant 0 : i32
    %dma_start3A_99 = arith.constant 0 : i32
    %dma_start3A_100 = tpu.memref_slice %arg6[%dma_start3A_98, %dma_start3A_99] : memref<512x128xf32, #tpu.memory_space<vmem>> -> memref<64x128xf32, #tpu.memory_space<vmem>>
    tpu.enqueue_dma source(%dma_start3A_100 : memref<64x128xf32, #tpu.memory_space<vmem>>) target(%dma_start3A_97 : memref<64x128xf32, #tpu.memory_space<hbm>>) target_semaphore(%arg16 : memref<!tpu.dma_semaphore, #tpu.memory_space<semaphore_mem>>)
    %dma_wait3A_101 = arith.constant 64 : i32
    %dma_wait3A_102 = arith.constant 0 : i32
    %dma_wait3A_103 = tpu.memref_slice %arg6[%dma_wait3A_101, %dma_wait3A_102] : memref<512x128xf32, #tpu.memory_space<vmem>> -> memref<64x128xf32, #tpu.memory_space<vmem>>
    %dma_wait3A_104 = arith.constant 64 : i32
    %dma_wait3A_105 = tpu.memref_slice %arg5[%dma_wait3A_104] : memref<512xi32, #tpu.memory_space<vmem>> -> memref<64xi32, #tpu.memory_space<vmem>>
    %dma_wait3A_106 = arith.constant 0 : i32
    %dma_wait3A_107 = arith.constant 0 : i32
    %dma_wait3A_108 = tpu.memref_slice %arg7[%dma_wait3A_106, %dma_wait3A_107] : memref<1024x128xf32, #tpu.memory_space<vmem_shared>> -> memref<1024x128xf32, #tpu.memory_space<vmem_shared>>
    tpu.wait_indirect_dma semaphore(%arg9 : memref<!tpu.dma_semaphore, #tpu.memory_space<semaphore_mem>>) src(%dma_wait3A_108 : memref<1024x128xf32, #tpu.memory_space<vmem_shared>>) dst(%dma_wait3A_103 : memref<64x128xf32, #tpu.memory_space<vmem>>)
    %add3A_109 = arith.constant 64 : i32
    %add3A_110 = arith.addi %mul3A_2, %add3A_109 : i32
    %dma_start3A_111 = arith.constant 64 : i32
    %dma_start3A_112 = arith.constant 0 : i32
    %dma_start3A_113 = tpu.memref_slice %arg6[%dma_start3A_111, %dma_start3A_112] : memref<512x128xf32, #tpu.memory_space<vmem>> -> memref<64x128xf32, #tpu.memory_space<vmem>>
    %dma_start3A_114 = arith.constant 0 : i32
    %dma_start3A_115 = tpu.memref_slice %arg4[%add3A_110, %dma_start3A_114] : memref<16384x128xf32, #tpu.memory_space<hbm>> -> memref<64x128xf32, #tpu.memory_space<hbm>>
    %dma_start3A_116 = arith.constant 0 : i32
    %dma_start3A_117 = tpu.memref_slice %arg4[%add3A_110, %dma_start3A_116] : memref<16384x128xf32, #tpu.memory_space<hbm>> -> memref<64x128xf32, #tpu.memory_space<hbm>>
    %dma_start3A_118 = arith.constant 64 : i32
    %dma_start3A_119 = arith.constant 0 : i32
    %dma_start3A_120 = tpu.memref_slice %arg6[%dma_start3A_118, %dma_start3A_119] : memref<512x128xf32, #tpu.memory_space<vmem>> -> memref<64x128xf32, #tpu.memory_space<vmem>>
    tpu.enqueue_dma source(%dma_start3A_120 : memref<64x128xf32, #tpu.memory_space<vmem>>) target(%dma_start3A_117 : memref<64x128xf32, #tpu.memory_space<hbm>>) target_semaphore(%arg16 : memref<!tpu.dma_semaphore, #tpu.memory_space<semaphore_mem>>)
    %dma_wait3A_121 = arith.constant 128 : i32
    %dma_wait3A_122 = arith.constant 0 : i32
    %dma_wait3A_123 = tpu.memref_slice %arg6[%dma_wait3A_121, %dma_wait3A_122] : memref<512x128xf32, #tpu.memory_space<vmem>> -> memref<64x128xf32, #tpu.memory_space<vmem>>
    %dma_wait3A_124 = arith.constant 128 : i32
    %dma_wait3A_125 = tpu.memref_slice %arg5[%dma_wait3A_124] : memref<512xi32, #tpu.memory_space<vmem>> -> memref<64xi32, #tpu.memory_space<vmem>>
    %dma_wait3A_126 = arith.constant 0 : i32
    %dma_wait3A_127 = arith.constant 0 : i32
    %dma_wait3A_128 = tpu.memref_slice %arg7[%dma_wait3A_126, %dma_wait3A_127] : memref<1024x128xf32, #tpu.memory_space<vmem_shared>> -> memref<1024x128xf32, #tpu.memory_space<vmem_shared>>
    tpu.wait_indirect_dma semaphore(%arg10 : memref<!tpu.dma_semaphore, #tpu.memory_space<semaphore_mem>>) src(%dma_wait3A_128 : memref<1024x128xf32, #tpu.memory_space<vmem_shared>>) dst(%dma_wait3A_123 : memref<64x128xf32, #tpu.memory_space<vmem>>)
    %add3A_129 = arith.constant 128 : i32
    %add3A_130 = arith.addi %mul3A_2, %add3A_129 : i32
    %dma_start3A_131 = arith.constant 128 : i32
    %dma_start3A_132 = arith.constant 0 : i32
    %dma_start3A_133 = tpu.memref_slice %arg6[%dma_start3A_131, %dma_start3A_132] : memref<512x128xf32, #tpu.memory_space<vmem>> -> memref<64x128xf32, #tpu.memory_space<vmem>>
    %dma_start3A_134 = arith.constant 0 : i32
    %dma_start3A_135 = tpu.memref_slice %arg4[%add3A_130, %dma_start3A_134] : memref<16384x128xf32, #tpu.memory_space<hbm>> -> memref<64x128xf32, #tpu.memory_space<hbm>>
    %dma_start3A_136 = arith.constant 0 : i32
    %dma_start3A_137 = tpu.memref_slice %arg4[%add3A_130, %dma_start3A_136] : memref<16384x128xf32, #tpu.memory_space<hbm>> -> memref<64x128xf32, #tpu.memory_space<hbm>>
    %dma_start3A_138 = arith.constant 128 : i32
    %dma_start3A_139 = arith.constant 0 : i32
    %dma_start3A_140 = tpu.memref_slice %arg6[%dma_start3A_138, %dma_start3A_139] : memref<512x128xf32, #tpu.memory_space<vmem>> -> memref<64x128xf32, #tpu.memory_space<vmem>>
    tpu.enqueue_dma source(%dma_start3A_140 : memref<64x128xf32, #tpu.memory_space<vmem>>) target(%dma_start3A_137 : memref<64x128xf32, #tpu.memory_space<hbm>>) target_semaphore(%arg16 : memref<!tpu.dma_semaphore, #tpu.memory_space<semaphore_mem>>)
    %dma_wait3A_141 = arith.constant 192 : i32
    %dma_wait3A_142 = arith.constant 0 : i32
    %dma_wait3A_143 = tpu.memref_slice %arg6[%dma_wait3A_141, %dma_wait3A_142] : memref<512x128xf32, #tpu.memory_space<vmem>> -> memref<64x128xf32, #tpu.memory_space<vmem>>
    %dma_wait3A_144 = arith.constant 192 : i32
    %dma_wait3A_145 = tpu.memref_slice %arg5[%dma_wait3A_144] : memref<512xi32, #tpu.memory_space<vmem>> -> memref<64xi32, #tpu.memory_space<vmem>>
    %dma_wait3A_146 = arith.constant 0 : i32
    %dma_wait3A_147 = arith.constant 0 : i32
    %dma_wait3A_148 = tpu.memref_slice %arg7[%dma_wait3A_146, %dma_wait3A_147] : memref<1024x128xf32, #tpu.memory_space<vmem_shared>> -> memref<1024x128xf32, #tpu.memory_space<vmem_shared>>
    tpu.wait_indirect_dma semaphore(%arg11 : memref<!tpu.dma_semaphore, #tpu.memory_space<semaphore_mem>>) src(%dma_wait3A_148 : memref<1024x128xf32, #tpu.memory_space<vmem_shared>>) dst(%dma_wait3A_143 : memref<64x128xf32, #tpu.memory_space<vmem>>)
    %add3A_149 = arith.constant 192 : i32
    %add3A_150 = arith.addi %mul3A_2, %add3A_149 : i32
    %dma_start3A_151 = arith.constant 192 : i32
    %dma_start3A_152 = arith.constant 0 : i32
    %dma_start3A_153 = tpu.memref_slice %arg6[%dma_start3A_151, %dma_start3A_152] : memref<512x128xf32, #tpu.memory_space<vmem>> -> memref<64x128xf32, #tpu.memory_space<vmem>>
    %dma_start3A_154 = arith.constant 0 : i32
    %dma_start3A_155 = tpu.memref_slice %arg4[%add3A_150, %dma_start3A_154] : memref<16384x128xf32, #tpu.memory_space<hbm>> -> memref<64x128xf32, #tpu.memory_space<hbm>>
    %dma_start3A_156 = arith.constant 0 : i32
    %dma_start3A_157 = tpu.memref_slice %arg4[%add3A_150, %dma_start3A_156] : memref<16384x128xf32, #tpu.memory_space<hbm>> -> memref<64x128xf32, #tpu.memory_space<hbm>>
    %dma_start3A_158 = arith.constant 192 : i32
    %dma_start3A_159 = arith.constant 0 : i32
    %dma_start3A_160 = tpu.memref_slice %arg6[%dma_start3A_158, %dma_start3A_159] : memref<512x128xf32, #tpu.memory_space<vmem>> -> memref<64x128xf32, #tpu.memory_space<vmem>>
    tpu.enqueue_dma source(%dma_start3A_160 : memref<64x128xf32, #tpu.memory_space<vmem>>) target(%dma_start3A_157 : memref<64x128xf32, #tpu.memory_space<hbm>>) target_semaphore(%arg16 : memref<!tpu.dma_semaphore, #tpu.memory_space<semaphore_mem>>)
    %dma_wait3A_161 = arith.constant 256 : i32
    %dma_wait3A_162 = arith.constant 0 : i32
    %dma_wait3A_163 = tpu.memref_slice %arg6[%dma_wait3A_161, %dma_wait3A_162] : memref<512x128xf32, #tpu.memory_space<vmem>> -> memref<64x128xf32, #tpu.memory_space<vmem>>
    %dma_wait3A_164 = arith.constant 256 : i32
    %dma_wait3A_165 = tpu.memref_slice %arg5[%dma_wait3A_164] : memref<512xi32, #tpu.memory_space<vmem>> -> memref<64xi32, #tpu.memory_space<vmem>>
    %dma_wait3A_166 = arith.constant 0 : i32
    %dma_wait3A_167 = arith.constant 0 : i32
    %dma_wait3A_168 = tpu.memref_slice %arg7[%dma_wait3A_166, %dma_wait3A_167] : memref<1024x128xf32, #tpu.memory_space<vmem_shared>> -> memref<1024x128xf32, #tpu.memory_space<vmem_shared>>
    tpu.wait_indirect_dma semaphore(%arg12 : memref<!tpu.dma_semaphore, #tpu.memory_space<semaphore_mem>>) src(%dma_wait3A_168 : memref<1024x128xf32, #tpu.memory_space<vmem_shared>>) dst(%dma_wait3A_163 : memref<64x128xf32, #tpu.memory_space<vmem>>)
    %add3A_169 = arith.constant 256 : i32
    %add3A_170 = arith.addi %mul3A_2, %add3A_169 : i32
    %dma_start3A_171 = arith.constant 256 : i32
    %dma_start3A_172 = arith.constant 0 : i32
    %dma_start3A_173 = tpu.memref_slice %arg6[%dma_start3A_171, %dma_start3A_172] : memref<512x128xf32, #tpu.memory_space<vmem>> -> memref<64x128xf32, #tpu.memory_space<vmem>>
    %dma_start3A_174 = arith.constant 0 : i32
    %dma_start3A_175 = tpu.memref_slice %arg4[%add3A_170, %dma_start3A_174] : memref<16384x128xf32, #tpu.memory_space<hbm>> -> memref<64x128xf32, #tpu.memory_space<hbm>>
    %dma_start3A_176 = arith.constant 0 : i32
    %dma_start3A_177 = tpu.memref_slice %arg4[%add3A_170, %dma_start3A_176] : memref<16384x128xf32, #tpu.memory_space<hbm>> -> memref<64x128xf32, #tpu.memory_space<hbm>>
    %dma_start3A_178 = arith.constant 256 : i32
    %dma_start3A_179 = arith.constant 0 : i32
    %dma_start3A_180 = tpu.memref_slice %arg6[%dma_start3A_178, %dma_start3A_179] : memref<512x128xf32, #tpu.memory_space<vmem>> -> memref<64x128xf32, #tpu.memory_space<vmem>>
    tpu.enqueue_dma source(%dma_start3A_180 : memref<64x128xf32, #tpu.memory_space<vmem>>) target(%dma_start3A_177 : memref<64x128xf32, #tpu.memory_space<hbm>>) target_semaphore(%arg16 : memref<!tpu.dma_semaphore, #tpu.memory_space<semaphore_mem>>)
    %dma_wait3A_181 = arith.constant 320 : i32
    %dma_wait3A_182 = arith.constant 0 : i32
    %dma_wait3A_183 = tpu.memref_slice %arg6[%dma_wait3A_181, %dma_wait3A_182] : memref<512x128xf32, #tpu.memory_space<vmem>> -> memref<64x128xf32, #tpu.memory_space<vmem>>
    %dma_wait3A_184 = arith.constant 320 : i32
    %dma_wait3A_185 = tpu.memref_slice %arg5[%dma_wait3A_184] : memref<512xi32, #tpu.memory_space<vmem>> -> memref<64xi32, #tpu.memory_space<vmem>>
    %dma_wait3A_186 = arith.constant 0 : i32
    %dma_wait3A_187 = arith.constant 0 : i32
    %dma_wait3A_188 = tpu.memref_slice %arg7[%dma_wait3A_186, %dma_wait3A_187] : memref<1024x128xf32, #tpu.memory_space<vmem_shared>> -> memref<1024x128xf32, #tpu.memory_space<vmem_shared>>
    tpu.wait_indirect_dma semaphore(%arg13 : memref<!tpu.dma_semaphore, #tpu.memory_space<semaphore_mem>>) src(%dma_wait3A_188 : memref<1024x128xf32, #tpu.memory_space<vmem_shared>>) dst(%dma_wait3A_183 : memref<64x128xf32, #tpu.memory_space<vmem>>)
    %add3A_189 = arith.constant 320 : i32
    %add3A_190 = arith.addi %mul3A_2, %add3A_189 : i32
    %dma_start3A_191 = arith.constant 320 : i32
    %dma_start3A_192 = arith.constant 0 : i32
    %dma_start3A_193 = tpu.memref_slice %arg6[%dma_start3A_191, %dma_start3A_192] : memref<512x128xf32, #tpu.memory_space<vmem>> -> memref<64x128xf32, #tpu.memory_space<vmem>>
    %dma_start3A_194 = arith.constant 0 : i32
    %dma_start3A_195 = tpu.memref_slice %arg4[%add3A_190, %dma_start3A_194] : memref<16384x128xf32, #tpu.memory_space<hbm>> -> memref<64x128xf32, #tpu.memory_space<hbm>>
    %dma_start3A_196 = arith.constant 0 : i32
    %dma_start3A_197 = tpu.memref_slice %arg4[%add3A_190, %dma_start3A_196] : memref<16384x128xf32, #tpu.memory_space<hbm>> -> memref<64x128xf32, #tpu.memory_space<hbm>>
    %dma_start3A_198 = arith.constant 320 : i32
    %dma_start3A_199 = arith.constant 0 : i32
    %dma_start3A_200 = tpu.memref_slice %arg6[%dma_start3A_198, %dma_start3A_199] : memref<512x128xf32, #tpu.memory_space<vmem>> -> memref<64x128xf32, #tpu.memory_space<vmem>>
    tpu.enqueue_dma source(%dma_start3A_200 : memref<64x128xf32, #tpu.memory_space<vmem>>) target(%dma_start3A_197 : memref<64x128xf32, #tpu.memory_space<hbm>>) target_semaphore(%arg16 : memref<!tpu.dma_semaphore, #tpu.memory_space<semaphore_mem>>)
    %dma_wait3A_201 = arith.constant 384 : i32
    %dma_wait3A_202 = arith.constant 0 : i32
    %dma_wait3A_203 = tpu.memref_slice %arg6[%dma_wait3A_201, %dma_wait3A_202] : memref<512x128xf32, #tpu.memory_space<vmem>> -> memref<64x128xf32, #tpu.memory_space<vmem>>
    %dma_wait3A_204 = arith.constant 384 : i32
    %dma_wait3A_205 = tpu.memref_slice %arg5[%dma_wait3A_204] : memref<512xi32, #tpu.memory_space<vmem>> -> memref<64xi32, #tpu.memory_space<vmem>>
    %dma_wait3A_206 = arith.constant 0 : i32
    %dma_wait3A_207 = arith.constant 0 : i32
    %dma_wait3A_208 = tpu.memref_slice %arg7[%dma_wait3A_206, %dma_wait3A_207] : memref<1024x128xf32, #tpu.memory_space<vmem_shared>> -> memref<1024x128xf32, #tpu.memory_space<vmem_shared>>
    tpu.wait_indirect_dma semaphore(%arg14 : memref<!tpu.dma_semaphore, #tpu.memory_space<semaphore_mem>>) src(%dma_wait3A_208 : memref<1024x128xf32, #tpu.memory_space<vmem_shared>>) dst(%dma_wait3A_203 : memref<64x128xf32, #tpu.memory_space<vmem>>)
    %add3A_209 = arith.constant 384 : i32
    %add3A_210 = arith.addi %mul3A_2, %add3A_209 : i32
    %dma_start3A_211 = arith.constant 384 : i32
    %dma_start3A_212 = arith.constant 0 : i32
    %dma_start3A_213 = tpu.memref_slice %arg6[%dma_start3A_211, %dma_start3A_212] : memref<512x128xf32, #tpu.memory_space<vmem>> -> memref<64x128xf32, #tpu.memory_space<vmem>>
    %dma_start3A_214 = arith.constant 0 : i32
    %dma_start3A_215 = tpu.memref_slice %arg4[%add3A_210, %dma_start3A_214] : memref<16384x128xf32, #tpu.memory_space<hbm>> -> memref<64x128xf32, #tpu.memory_space<hbm>>
    %dma_start3A_216 = arith.constant 0 : i32
    %dma_start3A_217 = tpu.memref_slice %arg4[%add3A_210, %dma_start3A_216] : memref<16384x128xf32, #tpu.memory_space<hbm>> -> memref<64x128xf32, #tpu.memory_space<hbm>>
    %dma_start3A_218 = arith.constant 384 : i32
    %dma_start3A_219 = arith.constant 0 : i32
    %dma_start3A_220 = tpu.memref_slice %arg6[%dma_start3A_218, %dma_start3A_219] : memref<512x128xf32, #tpu.memory_space<vmem>> -> memref<64x128xf32, #tpu.memory_space<vmem>>
    tpu.enqueue_dma source(%dma_start3A_220 : memref<64x128xf32, #tpu.memory_space<vmem>>) target(%dma_start3A_217 : memref<64x128xf32, #tpu.memory_space<hbm>>) target_semaphore(%arg16 : memref<!tpu.dma_semaphore, #tpu.memory_space<semaphore_mem>>)
    %dma_wait3A_221 = arith.constant 448 : i32
    %dma_wait3A_222 = arith.constant 0 : i32
    %dma_wait3A_223 = tpu.memref_slice %arg6[%dma_wait3A_221, %dma_wait3A_222] : memref<512x128xf32, #tpu.memory_space<vmem>> -> memref<64x128xf32, #tpu.memory_space<vmem>>
    %dma_wait3A_224 = arith.constant 448 : i32
    %dma_wait3A_225 = tpu.memref_slice %arg5[%dma_wait3A_224] : memref<512xi32, #tpu.memory_space<vmem>> -> memref<64xi32, #tpu.memory_space<vmem>>
    %dma_wait3A_226 = arith.constant 0 : i32
    %dma_wait3A_227 = arith.constant 0 : i32
    %dma_wait3A_228 = tpu.memref_slice %arg7[%dma_wait3A_226, %dma_wait3A_227] : memref<1024x128xf32, #tpu.memory_space<vmem_shared>> -> memref<1024x128xf32, #tpu.memory_space<vmem_shared>>
    tpu.wait_indirect_dma semaphore(%arg15 : memref<!tpu.dma_semaphore, #tpu.memory_space<semaphore_mem>>) src(%dma_wait3A_228 : memref<1024x128xf32, #tpu.memory_space<vmem_shared>>) dst(%dma_wait3A_223 : memref<64x128xf32, #tpu.memory_space<vmem>>)
    %add3A_229 = arith.constant 448 : i32
    %add3A_230 = arith.addi %mul3A_2, %add3A_229 : i32
    %dma_start3A_231 = arith.constant 448 : i32
    %dma_start3A_232 = arith.constant 0 : i32
    %dma_start3A_233 = tpu.memref_slice %arg6[%dma_start3A_231, %dma_start3A_232] : memref<512x128xf32, #tpu.memory_space<vmem>> -> memref<64x128xf32, #tpu.memory_space<vmem>>
    %dma_start3A_234 = arith.constant 0 : i32
    %dma_start3A_235 = tpu.memref_slice %arg4[%add3A_230, %dma_start3A_234] : memref<16384x128xf32, #tpu.memory_space<hbm>> -> memref<64x128xf32, #tpu.memory_space<hbm>>
    %dma_start3A_236 = arith.constant 0 : i32
    %dma_start3A_237 = tpu.memref_slice %arg4[%add3A_230, %dma_start3A_236] : memref<16384x128xf32, #tpu.memory_space<hbm>> -> memref<64x128xf32, #tpu.memory_space<hbm>>
    %dma_start3A_238 = arith.constant 448 : i32
    %dma_start3A_239 = arith.constant 0 : i32
    %dma_start3A_240 = tpu.memref_slice %arg6[%dma_start3A_238, %dma_start3A_239] : memref<512x128xf32, #tpu.memory_space<vmem>> -> memref<64x128xf32, #tpu.memory_space<vmem>>
    tpu.enqueue_dma source(%dma_start3A_240 : memref<64x128xf32, #tpu.memory_space<vmem>>) target(%dma_start3A_237 : memref<64x128xf32, #tpu.memory_space<hbm>>) target_semaphore(%arg16 : memref<!tpu.dma_semaphore, #tpu.memory_space<semaphore_mem>>)
    %dma_wait3A_241 = arith.constant 0 : i32
    %dma_wait3A_242 = arith.constant 0 : i32
    %dma_wait3A_243 = tpu.memref_slice %arg6[%dma_wait3A_241, %dma_wait3A_242] : memref<512x128xf32, #tpu.memory_space<vmem>> -> memref<64x128xf32, #tpu.memory_space<vmem>>
    %dma_wait3A_244 = arith.constant 0 : i32
    %dma_wait3A_245 = tpu.memref_slice %arg4[%add3A_90, %dma_wait3A_244] : memref<16384x128xf32, #tpu.memory_space<hbm>> -> memref<64x128xf32, #tpu.memory_space<hbm>>
    %dma_wait3A_246 = arith.constant 0 : i32
    %dma_wait3A_247 = tpu.memref_slice %arg4[%add3A_90, %dma_wait3A_246] : memref<16384x128xf32, #tpu.memory_space<hbm>> -> memref<64x128xf32, #tpu.memory_space<hbm>>
    %dma_wait3A_248 = arith.constant 0 : i32
    %dma_wait3A_249 = arith.constant 0 : i32
    %dma_wait3A_250 = tpu.memref_slice %arg6[%dma_wait3A_248, %dma_wait3A_249] : memref<512x128xf32, #tpu.memory_space<vmem>> -> memref<64x128xf32, #tpu.memory_space<vmem>>
    tpu.wait_dma2 semaphore(%arg16 : memref<!tpu.dma_semaphore, #tpu.memory_space<semaphore_mem>>) src(%dma_wait3A_250 : memref<64x128xf32, #tpu.memory_space<vmem>>) dst(%dma_wait3A_247 : memref<64x128xf32, #tpu.memory_space<hbm>>)
    %dma_wait3A_251 = arith.constant 64 : i32
    %dma_wait3A_252 = arith.constant 0 : i32
    %dma_wait3A_253 = tpu.memref_slice %arg6[%dma_wait3A_251, %dma_wait3A_252] : memref<512x128xf32, #tpu.memory_space<vmem>> -> memref<64x128xf32, #tpu.memory_space<vmem>>
    %dma_wait3A_254 = arith.constant 0 : i32
    %dma_wait3A_255 = tpu.memref_slice %arg4[%add3A_110, %dma_wait3A_254] : memref<16384x128xf32, #tpu.memory_space<hbm>> -> memref<64x128xf32, #tpu.memory_space<hbm>>
    %dma_wait3A_256 = arith.constant 0 : i32
    %dma_wait3A_257 = tpu.memref_slice %arg4[%add3A_110, %dma_wait3A_256] : memref<16384x128xf32, #tpu.memory_space<hbm>> -> memref<64x128xf32, #tpu.memory_space<hbm>>
    %dma_wait3A_258 = arith.constant 64 : i32
    %dma_wait3A_259 = arith.constant 0 : i32
    %dma_wait3A_260 = tpu.memref_slice %arg6[%dma_wait3A_258, %dma_wait3A_259] : memref<512x128xf32, #tpu.memory_space<vmem>> -> memref<64x128xf32, #tpu.memory_space<vmem>>
    tpu.wait_dma2 semaphore(%arg16 : memref<!tpu.dma_semaphore, #tpu.memory_space<semaphore_mem>>) src(%dma_wait3A_260 : memref<64x128xf32, #tpu.memory_space<vmem>>) dst(%dma_wait3A_257 : memref<64x128xf32, #tpu.memory_space<hbm>>)
    %dma_wait3A_261 = arith.constant 128 : i32
    %dma_wait3A_262 = arith.constant 0 : i32
    %dma_wait3A_263 = tpu.memref_slice %arg6[%dma_wait3A_261, %dma_wait3A_262] : memref<512x128xf32, #tpu.memory_space<vmem>> -> memref<64x128xf32, #tpu.memory_space<vmem>>
    %dma_wait3A_264 = arith.constant 0 : i32
    %dma_wait3A_265 = tpu.memref_slice %arg4[%add3A_130, %dma_wait3A_264] : memref<16384x128xf32, #tpu.memory_space<hbm>> -> memref<64x128xf32, #tpu.memory_space<hbm>>
    %dma_wait3A_266 = arith.constant 0 : i32
    %dma_wait3A_267 = tpu.memref_slice %arg4[%add3A_130, %dma_wait3A_266] : memref<16384x128xf32, #tpu.memory_space<hbm>> -> memref<64x128xf32, #tpu.memory_space<hbm>>
    %dma_wait3A_268 = arith.constant 128 : i32
    %dma_wait3A_269 = arith.constant 0 : i32
    %dma_wait3A_270 = tpu.memref_slice %arg6[%dma_wait3A_268, %dma_wait3A_269] : memref<512x128xf32, #tpu.memory_space<vmem>> -> memref<64x128xf32, #tpu.memory_space<vmem>>
    tpu.wait_dma2 semaphore(%arg16 : memref<!tpu.dma_semaphore, #tpu.memory_space<semaphore_mem>>) src(%dma_wait3A_270 : memref<64x128xf32, #tpu.memory_space<vmem>>) dst(%dma_wait3A_267 : memref<64x128xf32, #tpu.memory_space<hbm>>)
    %dma_wait3A_271 = arith.constant 192 : i32
    %dma_wait3A_272 = arith.constant 0 : i32
    %dma_wait3A_273 = tpu.memref_slice %arg6[%dma_wait3A_271, %dma_wait3A_272] : memref<512x128xf32, #tpu.memory_space<vmem>> -> memref<64x128xf32, #tpu.memory_space<vmem>>
    %dma_wait3A_274 = arith.constant 0 : i32
    %dma_wait3A_275 = tpu.memref_slice %arg4[%add3A_150, %dma_wait3A_274] : memref<16384x128xf32, #tpu.memory_space<hbm>> -> memref<64x128xf32, #tpu.memory_space<hbm>>
    %dma_wait3A_276 = arith.constant 0 : i32
    %dma_wait3A_277 = tpu.memref_slice %arg4[%add3A_150, %dma_wait3A_276] : memref<16384x128xf32, #tpu.memory_space<hbm>> -> memref<64x128xf32, #tpu.memory_space<hbm>>
    %dma_wait3A_278 = arith.constant 192 : i32
    %dma_wait3A_279 = arith.constant 0 : i32
    %dma_wait3A_280 = tpu.memref_slice %arg6[%dma_wait3A_278, %dma_wait3A_279] : memref<512x128xf32, #tpu.memory_space<vmem>> -> memref<64x128xf32, #tpu.memory_space<vmem>>
    tpu.wait_dma2 semaphore(%arg16 : memref<!tpu.dma_semaphore, #tpu.memory_space<semaphore_mem>>) src(%dma_wait3A_280 : memref<64x128xf32, #tpu.memory_space<vmem>>) dst(%dma_wait3A_277 : memref<64x128xf32, #tpu.memory_space<hbm>>)
    %dma_wait3A_281 = arith.constant 256 : i32
    %dma_wait3A_282 = arith.constant 0 : i32
    %dma_wait3A_283 = tpu.memref_slice %arg6[%dma_wait3A_281, %dma_wait3A_282] : memref<512x128xf32, #tpu.memory_space<vmem>> -> memref<64x128xf32, #tpu.memory_space<vmem>>
    %dma_wait3A_284 = arith.constant 0 : i32
    %dma_wait3A_285 = tpu.memref_slice %arg4[%add3A_170, %dma_wait3A_284] : memref<16384x128xf32, #tpu.memory_space<hbm>> -> memref<64x128xf32, #tpu.memory_space<hbm>>
    %dma_wait3A_286 = arith.constant 0 : i32
    %dma_wait3A_287 = tpu.memref_slice %arg4[%add3A_170, %dma_wait3A_286] : memref<16384x128xf32, #tpu.memory_space<hbm>> -> memref<64x128xf32, #tpu.memory_space<hbm>>
    %dma_wait3A_288 = arith.constant 256 : i32
    %dma_wait3A_289 = arith.constant 0 : i32
    %dma_wait3A_290 = tpu.memref_slice %arg6[%dma_wait3A_288, %dma_wait3A_289] : memref<512x128xf32, #tpu.memory_space<vmem>> -> memref<64x128xf32, #tpu.memory_space<vmem>>
    tpu.wait_dma2 semaphore(%arg16 : memref<!tpu.dma_semaphore, #tpu.memory_space<semaphore_mem>>) src(%dma_wait3A_290 : memref<64x128xf32, #tpu.memory_space<vmem>>) dst(%dma_wait3A_287 : memref<64x128xf32, #tpu.memory_space<hbm>>)
    %dma_wait3A_291 = arith.constant 320 : i32
    %dma_wait3A_292 = arith.constant 0 : i32
    %dma_wait3A_293 = tpu.memref_slice %arg6[%dma_wait3A_291, %dma_wait3A_292] : memref<512x128xf32, #tpu.memory_space<vmem>> -> memref<64x128xf32, #tpu.memory_space<vmem>>
    %dma_wait3A_294 = arith.constant 0 : i32
    %dma_wait3A_295 = tpu.memref_slice %arg4[%add3A_190, %dma_wait3A_294] : memref<16384x128xf32, #tpu.memory_space<hbm>> -> memref<64x128xf32, #tpu.memory_space<hbm>>
    %dma_wait3A_296 = arith.constant 0 : i32
    %dma_wait3A_297 = tpu.memref_slice %arg4[%add3A_190, %dma_wait3A_296] : memref<16384x128xf32, #tpu.memory_space<hbm>> -> memref<64x128xf32, #tpu.memory_space<hbm>>
    %dma_wait3A_298 = arith.constant 320 : i32
    %dma_wait3A_299 = arith.constant 0 : i32
    %dma_wait3A_300 = tpu.memref_slice %arg6[%dma_wait3A_298, %dma_wait3A_299] : memref<512x128xf32, #tpu.memory_space<vmem>> -> memref<64x128xf32, #tpu.memory_space<vmem>>
    tpu.wait_dma2 semaphore(%arg16 : memref<!tpu.dma_semaphore, #tpu.memory_space<semaphore_mem>>) src(%dma_wait3A_300 : memref<64x128xf32, #tpu.memory_space<vmem>>) dst(%dma_wait3A_297 : memref<64x128xf32, #tpu.memory_space<hbm>>)
    %dma_wait3A_301 = arith.constant 384 : i32
    %dma_wait3A_302 = arith.constant 0 : i32
    %dma_wait3A_303 = tpu.memref_slice %arg6[%dma_wait3A_301, %dma_wait3A_302] : memref<512x128xf32, #tpu.memory_space<vmem>> -> memref<64x128xf32, #tpu.memory_space<vmem>>
    %dma_wait3A_304 = arith.constant 0 : i32
    %dma_wait3A_305 = tpu.memref_slice %arg4[%add3A_210, %dma_wait3A_304] : memref<16384x128xf32, #tpu.memory_space<hbm>> -> memref<64x128xf32, #tpu.memory_space<hbm>>
    %dma_wait3A_306 = arith.constant 0 : i32
    %dma_wait3A_307 = tpu.memref_slice %arg4[%add3A_210, %dma_wait3A_306] : memref<16384x128xf32, #tpu.memory_space<hbm>> -> memref<64x128xf32, #tpu.memory_space<hbm>>
    %dma_wait3A_308 = arith.constant 384 : i32
    %dma_wait3A_309 = arith.constant 0 : i32
    %dma_wait3A_310 = tpu.memref_slice %arg6[%dma_wait3A_308, %dma_wait3A_309] : memref<512x128xf32, #tpu.memory_space<vmem>> -> memref<64x128xf32, #tpu.memory_space<vmem>>
    tpu.wait_dma2 semaphore(%arg16 : memref<!tpu.dma_semaphore, #tpu.memory_space<semaphore_mem>>) src(%dma_wait3A_310 : memref<64x128xf32, #tpu.memory_space<vmem>>) dst(%dma_wait3A_307 : memref<64x128xf32, #tpu.memory_space<hbm>>)
    %dma_wait3A_311 = arith.constant 448 : i32
    %dma_wait3A_312 = arith.constant 0 : i32
    %dma_wait3A_313 = tpu.memref_slice %arg6[%dma_wait3A_311, %dma_wait3A_312] : memref<512x128xf32, #tpu.memory_space<vmem>> -> memref<64x128xf32, #tpu.memory_space<vmem>>
    %dma_wait3A_314 = arith.constant 0 : i32
    %dma_wait3A_315 = tpu.memref_slice %arg4[%add3A_230, %dma_wait3A_314] : memref<16384x128xf32, #tpu.memory_space<hbm>> -> memref<64x128xf32, #tpu.memory_space<hbm>>
    %dma_wait3A_316 = arith.constant 0 : i32
    %dma_wait3A_317 = tpu.memref_slice %arg4[%add3A_230, %dma_wait3A_316] : memref<16384x128xf32, #tpu.memory_space<hbm>> -> memref<64x128xf32, #tpu.memory_space<hbm>>
    %dma_wait3A_318 = arith.constant 448 : i32
    %dma_wait3A_319 = arith.constant 0 : i32
    %dma_wait3A_320 = tpu.memref_slice %arg6[%dma_wait3A_318, %dma_wait3A_319] : memref<512x128xf32, #tpu.memory_space<vmem>> -> memref<64x128xf32, #tpu.memory_space<vmem>>
    tpu.wait_dma2 semaphore(%arg16 : memref<!tpu.dma_semaphore, #tpu.memory_space<semaphore_mem>>) src(%dma_wait3A_320 : memref<64x128xf32, #tpu.memory_space<vmem>>) dst(%dma_wait3A_317 : memref<64x128xf32, #tpu.memory_space<hbm>>)
    return
  }
}

module attributes {stable_mosaic.version = 14 : i64} {
  func.func @body(%arg0: memref<1000x128xf32, #tpu.memory_space<vmem>>, %arg1: memref<128x128xf32, #tpu.memory_space<vmem>>, %arg2: memref<1x128xf32, #tpu.memory_space<vmem>>, %arg3: memref<128x128xf32, #tpu.memory_space<vmem>>, %arg4: memref<1x128xf32, #tpu.memory_space<vmem>>, %arg5: memref<1024x128xf32, #tpu.memory_space<vmem>>) attributes {dimension_semantics = [], scalar_prefetch = 0 : i64, scratch_operands = 0 : i64, tpu.core_type = #tpu.core_type<tc>} {
    %get3A = arith.constant 0 : index
    %get3A_0 = arith.constant 0 : index
    %get3A_1 = vector.load %arg0[%get3A, %get3A_0] : memref<1000x128xf32, #tpu.memory_space<vmem>>, vector<1000x128xf32>
    %get3A_2 = arith.constant 0 : index
    %get3A_3 = arith.constant 0 : index
    %get3A_4 = vector.load %arg1[%get3A_2, %get3A_3] : memref<128x128xf32, #tpu.memory_space<vmem>>, vector<128x128xf32>
    %dot_general3A = arith.constant dense<0.000000e+00> : vector<1000x128xf32>
    %dot_general3A_5 = tpu.matmul %get3A_1, %get3A_4, %dot_general3A {dimension_numbers = #tpu.dot_dimension_numbers<[1], [0], [0], [1], [0, 0, 1, 1], [], []>, transpose_lhs_hint = false} : vector<1000x128xf32>, vector<128x128xf32>, vector<1000x128xf32> -> vector<1000x128xf32>
    %get3A_6 = arith.constant 0 : index
    %get3A_7 = arith.constant 0 : index
    %get3A_8 = vector.load %arg2[%get3A_6, %get3A_7] : memref<1x128xf32, #tpu.memory_space<vmem>>, vector<1x128xf32>
    %add3A = vector.broadcast %get3A_8 : vector<1x128xf32> to vector<1000x128xf32>
    %add3A_9 = arith.addf %dot_general3A_5, %add3A : vector<1000x128xf32>
    %logistic3A = arith.negf %add3A_9 : vector<1000x128xf32>
    %logistic3A_10 = math.exp %logistic3A : vector<1000x128xf32>
    %logistic3A_11 = arith.constant 1.000000e+00 : f32
    %logistic3A_12 = vector.broadcast %logistic3A_11 : f32 to vector<1000x128xf32>
    %logistic3A_13 = arith.addf %logistic3A_12, %logistic3A_10 : vector<1000x128xf32>
    %logistic3A_14 = arith.divf %logistic3A_12, %logistic3A_13 : vector<1000x128xf32>
    %mul3A = arith.mulf %add3A_9, %logistic3A_14 : vector<1000x128xf32>
    %get3A_15 = arith.constant 0 : index
    %get3A_16 = arith.constant 0 : index
    %get3A_17 = vector.load %arg3[%get3A_15, %get3A_16] : memref<128x128xf32, #tpu.memory_space<vmem>>, vector<128x128xf32>
    %dot_general3A_18 = arith.constant dense<0.000000e+00> : vector<1000x128xf32>
    %dot_general3A_19 = tpu.matmul %mul3A, %get3A_17, %dot_general3A_18 {dimension_numbers = #tpu.dot_dimension_numbers<[1], [0], [0], [1], [0, 0, 1, 1], [], []>, transpose_lhs_hint = false} : vector<1000x128xf32>, vector<128x128xf32>, vector<1000x128xf32> -> vector<1000x128xf32>
    %get3A_20 = arith.constant 0 : index
    %get3A_21 = arith.constant 0 : index
    %get3A_22 = vector.load %arg4[%get3A_20, %get3A_21] : memref<1x128xf32, #tpu.memory_space<vmem>>, vector<1x128xf32>
    %add3A_23 = vector.broadcast %get3A_22 : vector<1x128xf32> to vector<1000x128xf32>
    %add3A_24 = arith.addf %dot_general3A_19, %add3A_23 : vector<1000x128xf32>
    %logistic3A_25 = arith.negf %add3A_24 : vector<1000x128xf32>
    %logistic3A_26 = math.exp %logistic3A_25 : vector<1000x128xf32>
    %logistic3A_27 = arith.constant 1.000000e+00 : f32
    %logistic3A_28 = vector.broadcast %logistic3A_27 : f32 to vector<1000x128xf32>
    %logistic3A_29 = arith.addf %logistic3A_28, %logistic3A_26 : vector<1000x128xf32>
    %logistic3A_30 = arith.divf %logistic3A_28, %logistic3A_29 : vector<1000x128xf32>
    %mul3A_31 = arith.mulf %add3A_24, %logistic3A_30 : vector<1000x128xf32>
    %swap3A = arith.constant 0 : index
    %swap3A_32 = arith.constant 0 : index
    %swap3A_33 = vector.load %arg5[%swap3A, %swap3A_32] : memref<1024x128xf32, #tpu.memory_space<vmem>>, vector<1000x128xf32>
    tpu.vector_store %arg5[%swap3A, %swap3A_32], %mul3A_31 {strides = array<i32>} : memref<1024x128xf32, #tpu.memory_space<vmem>>, vector<1000x128xf32>,
    return
  }
}

</mosaic_0001>

<sc_bundles>
// kernel: kernel.4.cloned.1.call-start
scs
__scs_entry_jumppad:
0x0: {  	(pc) =	sbr.rel $0x88, $3  }
0x1: {  	(tag) =	ssettag $0x0;
	lr =	simm.s32 $0x1  }
0x2: {  	[smem:$0x3F9B] =	sst lr;
	_ =	strace $0xD0000000  }
0x3: {  	_ = 	snop  }
0x4: {  	_ = 	snop  }
0x5: {  	_ = 	snop  }
0x6: {  	_ = 	snop  }
0x7: {  	_ = 	snop  }
__scs_overlays_trampoline_lowered:
0x8: {  	[smem:$0x3FAA] =	sst s0  }
0x9: {  	[smem:$0x3FAB] =	sst s1  }
0xa: {  	[smem:$0x3FAC] =	sst s2  }
0xb: {  	[smem:$0x3FAD] =	sst s3  }
0xc: {  	[smem:$0x3FAE] =	sst s4  }
0xd: {  	[smem:$0x3FAF] =	sst s5  }
0xe: {  	[smem:$0x3FB0] =	sst s6  }
0xf: {  	[smem:$0x3FB1] =	sst s7  }
0x10: {  	[smem:$0x3FB2] =	sst s8  }
0x11: {  	[smem:$0x3FB3] =	sst s9;
	s0 =	simm.s32 @!p0 $0x0  }
0x12: {  	s1 =	sld [smem:$0x3F99];
	s0 =	simm.s32 @p0 $0x1  }
0x13: {  	[smem:$0x3FB4] =	sst s0;
	s0 =	simm.s32 @!p1 $0x0  }
0x14: {  	s2 =	sld [smem:$0x3F98];
	s0 =	simm.s32 @p1 $0x1  }
0x15: {  	[smem:$0x3FB5] =	sst s0;
	s0 =	simm.s32 @!p2 $0x0  }
0x16: {  	s3 =	sld [smem:$0x3FDB];
	s0 =	simm.s32 @p2 $0x1  }
0x17: {  	s4 =	simm.s32 $0x1BF5;
	[smem:$0x3FB7] =	sst s0  }
0x18: {  	s0 =	sld [smem:$0x3F9A];
	_ =	swait.ge [sflag:s4], $0x0  }
0x19: {  	s7 =	sld [smem:$0x3F9B]  }
0x1a: {  	s8 =	sadd.s32 $0xFFFFE003, lr  }
0x1b: {  	s9 =	sadd.s32 $0xFFFFFEF7, lr;
	s5 =	simm.s32 $0xFFFFFFFF;
	p2 =	slt.u32 s8, $0xFFFFF086  }
0x1c: {  	p1 =	slt.u32 s9, $0xF7A;
	s5 =	simm.s32 @!p2 $0x0  }
0x1d: {  	s5 =	simm.s32 @p1 $0x1;
	p0 =	seq.s32 s7, s2  }
0x1e: {  	s7 =	smul.u32 @!p0 $0xF7A, s2;
	p2 =	seq.s32 @!p0 s5, $0x0  }
0x1f: {  	s9 =	smul.u32 $0xF7A, s1;
	s8 =	simm.s32 @!p0 $0x1BF5;
	p2 =	por !p2, p0  }
0x20: {  	[sflag:s8] =	ssyncset.s32 @!p0 $0xFFFFF086;
	s6 =	sadd.s32 @!p0 s3, s7;
	s7 =	simm.s32 @!p0 $0x108  }
0x21: {  	s3 =	sadd.s32 s3, s9;
	s6 =	sadd.s32 @!p0 $0x88, s6;
	s7 =	simm.s32 @p2 $0x1082  }
0x22: {  	[simem:s7], [sflag:s8] =	dma.local @!p0 [hbm:s6], $0xF7A  }
0x23: {  	s9 =	sor.u32 $0xD0000000, s2;
	s6 =	simm.s32 $0x108;
	_ =	swait.ge @!p0 [sflag:s8], $0x0  }
0x24: {  	s3 =	sadd.s32 $0x88, s3;
	s6 =	simm.s32 @!p1 $0x1082;
	[sflag:s4] =	ssyncset.s32 $0xFFFFF086  }
0x25: {  	[simem:s6], [sflag:s4] =	dma.local [hbm:s3], $0xF7A  }
0x26: {  	[smem:$0x3F9B] =	sst s1;
	(tag) =	ssettag s2;
	_ =	strace s9  }
0x27: {  	s1 =	sld [smem:$0x3FAB]  }
0x28: {  	s2 =	sld [smem:$0x3FAC]  }
0x29: {  	s4 =	sld [smem:$0x3FAE]  }
0x2a: {  	p0 =	seq.s32 s5, $0x0;
	s5 =	sld [smem:$0x3FAF]  }
0x2b: {  	s6 =	sld [smem:$0x3FB0]  }
0x2c: {  	s7 =	sld [smem:$0x3FB1]  }
0x2d: {  	s3 =	simm.s32 $0x108;
	s8 =	sld [smem:$0x3FB2]  }
0x2e: {  	s3 =	simm.s32 @!p0 $0x1082;
	s9 =	sld [smem:$0x3FB3]  }
0x2f: {  	lr =	sadd.s32 s0, s3;
	s0 =	sld [smem:$0x3FAA]  }
0x30: {  	s3 =	sld [smem:$0x3FAD]  }
0x31: {  	[smem:$0x3FB6] =	sst s10  }
0x32: {  	s10 =	sld [smem:$0x3FB4];
	_ =	sdelay $0x3  }
0x33: {  	p0 =	seq.s32 s10, $0x1;
	s10 =	sld [smem:$0x3FB6];
	_ =	sdelay $0x3  }
0x34: {  	[smem:$0x3FB6] =	sst s10  }
0x35: {  	s10 =	sld [smem:$0x3FB5];
	_ =	sdelay $0x3  }
0x36: {  	p1 =	seq.s32 s10, $0x1;
	s10 =	sld [smem:$0x3FB6];
	_ =	sdelay $0x3  }
0x37: {  	[smem:$0x3FB6] =	sst s10  }
0x38: {  	s10 =	sld [smem:$0x3FB7]  }
0x39: {  	_ = 	snop;
	(pc) =	sbr.ind lr, $3  }
0x3a: {  	_ = 	snop  }
0x3b: {  	_ = 	snop  }
0x3c: {  	p2 =	seq.s32 s10, $0x1;
	s10 =	sld [smem:$0x3FB6]  }
0x3d: {  	_ =	shalt  }
0x3e: {  	_ =	shalt  }
0x3f: {  	_ =	shalt  }
0x40: {  	_ =	shalt  }
0x41: {  	_ =	shalt  }
0x42: {  	_ =	shalt  }
0x43: {  	_ =	shalt  }
0x44: {  	_ =	shalt  }
0x45: {  	_ =	shalt  }
0x46: {  	_ =	shalt  }
0x47: {  	_ =	shalt  }
0x48: {  	_ =	shalt  }
0x49: {  	_ =	shalt  }
0x4a: {  	_ =	shalt  }
0x4b: {  	_ =	shalt  }
0x4c: {  	_ =	shalt  }
0x4d: {  	_ =	shalt  }
0x4e: {  	_ =	shalt  }
0x4f: {  	_ =	shalt  }
0x50: {  	_ =	shalt  }
0x51: {  	_ =	shalt  }
0x52: {  	_ =	shalt  }
0x53: {  	_ =	shalt  }
0x54: {  	_ =	shalt  }
0x55: {  	_ =	shalt  }
0x56: {  	_ =	shalt  }
0x57: {  	_ =	shalt  }
0x58: {  	_ =	shalt  }
0x59: {  	_ =	shalt  }
0x5a: {  	_ =	shalt  }
0x5b: {  	_ =	shalt  }
0x5c: {  	_ =	shalt  }
0x5d: {  	_ =	shalt  }
0x5e: {  	_ =	shalt  }
0x5f: {  	_ =	shalt  }
0x60: {  	_ =	shalt  }
0x61: {  	_ =	shalt  }
0x62: {  	_ =	shalt  }
0x63: {  	_ =	shalt  }
0x64: {  	_ =	shalt  }
0x65: {  	_ =	shalt  }
0x66: {  	_ =	shalt  }
0x67: {  	_ =	shalt  }
0x68: {  	_ =	shalt  }
0x69: {  	_ =	shalt  }
0x6a: {  	_ =	shalt  }
0x6b: {  	_ =	shalt  }
0x6c: {  	_ =	shalt  }
0x6d: {  	_ =	shalt  }
0x6e: {  	_ =	shalt  }
0x6f: {  	_ =	shalt  }
0x70: {  	_ =	shalt  }
0x71: {  	_ =	shalt  }
0x72: {  	_ =	shalt  }
0x73: {  	_ =	shalt  }
0x74: {  	_ =	shalt  }
0x75: {  	_ =	shalt  }
0x76: {  	_ =	shalt  }
0x77: {  	_ =	shalt  }
0x78: {  	_ =	shalt  }
0x79: {  	_ =	shalt  }
0x7a: {  	_ =	shalt  }
0x7b: {  	_ =	shalt  }
0x7c: {  	_ =	shalt  }
0x7d: {  	_ =	shalt  }
0x7e: {  	_ =	shalt  }
0x7f: {  	_ =	shalt  }
0x80: {  	_ =	shalt  }
0x81: {  	_ =	shalt  }
0x82: {  	_ =	shalt  }
0x83: {  	_ =	shalt  }
0x84: {  	_ =	shalt  }
0x85: {  	_ =	shalt  }
0x86: {  	_ =	shalt  }
0x87: {  	_ =	shalt  }
.Lfunc_end0:
.L_simem_size_0:
called_computation_lowered:
.L_overlay_start_0:
0x88: {  	s2 =	sld [smem:$0x3FD9]  }
0x89: {  	s3 =	sld [smem:$0x3FFE];
	_ =	sdelay $0x1  }
0x8a: {  	s1 =	srdreg.scid  }
0x8b: {  	s0 =	sand.u32 $0x1, s1  }
0x8c: {  	s17 =	sshll.u32 s0, $0xA;
	s2 =	sadd.s32 s3, s2  }
0x8d: {  	s2 =	sadd.s32 s2, s17  }
0x8e: {  	[smem:$0x3FC2] =	sst s2  }
0x8f: {  	_ = 	snop  }
0x90: {  	s2 =	sld [smem:$0x3FC4]  }
0x91: {  	s18 =	sld [smem:$0x3FD0];
	(tm) =	ssettm $0x1  }
0x92: {  	s4 =	sld [smem:$0x3FFB];
	_ =	sdelay $0x3  }
0x93: {  	_ =	strace s4  }
0x94: {  	s4 =	sld [smem:$0x3FFC];
	_ =	sdelay $0x3  }
0x95: {  	_ =	strace s4  }
0x96: {  	s4 =	sld [smem:$0x3FFD];
	_ =	sdelay $0x3  }
0x97: {  	_ =	strace s4  }
0x98: {  	_ =	strace $0x8FFFFFFF  }
0x99: {  	s19 =	sld [smem:$0x3FDB];
	_ =	sdelay $0x1  }
0x9a: {  	s5 =	simm.s32 $_scs_section_size  }
0x9b: {  	s6 =	simm.s32 $_size__tile_overlayer_lowered;
	s7 =	simm.s32 $_tile_overlayer_lowered  }
0x9c: {  	s22 =	simm.s32 $0x1BFF;
	s21 =	sshll.u32 s7, $0x1;
	s4 =	sadd.s32 s5, s19  }
0x9d: {  	s8 =	simm.s32 $0x0;
	s20 =	sshll.u32 s6, $0x1;
	s6 =	sadd.s32 s21, s4  }
0x9e: {  	[timem:s8], [sflag:s22] =	dma.local [hbm:s6], s20  }
0x9f: {  	_ =	swait.ge [sflag:s22], s20  }
0xa0: {  	s5 =	ssub.s32 $0x0, s20;
	[sflag:s22] =	ssyncset.done $0x0  }
0xa1: {  	[sflag:s22] =	ssyncadd.s32 s5;
	_ =	sdelay $0x1  }
0xa2: {  	s23 =	simm.s32 $0x1B8B  }
0xa3: {  	_ =	swait.ge [sflag:s23], $0x1  }
0xa4: {  	[sflag:s23] =	ssyncset.done $0x0  }
0xa5: {  	s25 =	simm.s32 $0x1B8E;
	s24 =	sld [smem:$0x3FFE];
	[sflag:s23] =	ssyncadd.s32 $0xFFFFFFFF  }
0xa6: {  	s26 =	simm.s32 $execute0_lowered;
	[smem:$0x3FD2] =	sst s25  }
0xa7: {  	s6 =	sshll.u32 s26, $0x1;
	_ =	strace $0x80000046;
	[dreg:$0x1] =	wrdreg $0xFFFFFFFF  }
0xa8: {  	s28 =	simm.s32 $_size_execute0_lowered;
	s4 =	sadd.s32 s4, s6;
	[dreg:$0x0] =	wrdreg $0x0  }
0xa9: {  	s6 =	sshll.u32 s28, $0x1;
	[dreg:$0x2] =	wrdreg s4  }
0xaa: {  	[dreg:$0x3] =	wrdreg s6  }
0xab: {  	[dreg:$0x4] =	wrdreg $0xC0  }
0xac: {  	_ =	task [dreg:s8], $0x5FFFF  }
0xad: {  	[dreg:$0x1] =	wrdreg $0xFFFFFFFF  }
0xae: {  	[dreg:$0x0] =	wrdreg $0x60  }
0xaf: {  	[dreg:$0x2] =	wrdreg s24  }
0xb0: {  	[dreg:$0x3] =	wrdreg s2  }
0xb1: {  	[dreg:$0x4] =	wrdreg s18  }
0xb2: {  	[dreg:$0x5] =	wrdreg $0x102000  }
0xb3: {  	[dreg:$0x6] =	wrdreg $0x9  }
0xb4: {  	_ =	task.clear_ibuf [dreg:s8], $0x7FFFF;
	_ =	strace $0x90000046  }
0xb5: {  	s29 =	simm.s32 $0x9;
	_ =	strace $0x80000048  }
0xb6: {  	_ =	swait.ge [sflag:s29], $0x1  }
0xb7: {  	[sflag:s29] =	ssyncadd.s32 $0xFFFFFFFF  }
0xb8: {  	_ =	strace $0x90000048  }
0xb9: {  	_ =	sfence  }
0xba: {  	s30 =	sld [smem:$0x0];
	_ =	sdelay $0x2  }
0xbb: {  	s31 =	sshll.u32 s1, $0xD;
	s1 =	sshrl.u32 s1, $0x2  }
0xbc: {  	s3 =	sand.u32 $0x4000, s31;
	s1 =	sadd.s32 s1, s30  }
0xbd: {  	s0 =	sor.u32 s3, s0;
	s1 =	sshll.u32 s1, $0x11  }
0xbe: {  	s0 =	sor.u32 s1, s0  }
0xbf: {  	s0 =	sadd.s32 $0x8F2B, s0  }
0xc0: {  	[sflag:s0] =	ssyncadd.remote.s32 $0x1  }
0xc1: {  	_ =	sfence.sel $0xFFFF  }
0xc2: {  	[dreg:$0x0] =	wrdreg $0xFFFFFFFF;
	(pc) =	sbr.abs _section_cstart, $3  }
0xc3: {  	[dreg:$0x1] =	wrdreg $0xFFFFFFFF  }
0xc4: {  	_ =	task.clear_ibuf [dreg:s8], $0x2FFFF;
	_ =	strace $0x9FFFFFFF  }
0xc5: {  	(tm) =	ssettm $0x7FFFFFFF  }
tec
execute0_lowered:
.L_overlay_start_1:
0x0: {  	(tag) =	ssettag $0x1  }
0x1: {  	s0 =	rddreg [dreg:$0x0]  }
0x2: {  	s1 =	rddreg [dreg:$0x1]  }
0x3: {  	s4 =	rddreg [dreg:$0x2]  }
0x4: {  	s3 =	rddreg [dreg:$0x3]  }
0x5: {  	s24 =	rddreg [dreg:$0x4];
	s8 =	stileid.u32;
	s2 =	simm.s32 $0x0  }
0x6: {  	s6 =	srdreg.scid;
	s26 =	simm.s32 $0xC0;
	s28 =	simm.s32 $0x100  }
0x7: {  	s29 =	simm.s32 $0x140;
	s9 =	simm.s32 $0xA200;
	s30 =	simm.s32 $0x180  }
0x8: {  	s25 =	simm.s32 $0x1C0;
	s23 =	simm.s32 $0x3;
	p0 =	por $0x0, $0x0  }
0x9: {  	s5 =	sshll.u32 s8, $0xA;
	[smem:$0x7FF] =	sst s2;
	s7 =	sand.u32 $0x1, s6  }
0xa: {  	s10 =	sshll.u32 s8, $0x6;
	s19 =	sshll.u32 s8, $0xD;
	s8 =	simm.s32 $0xC200  }
0xb: {  	s0 =	sadd.s32 s5, s0;
	_ =	strace $0x80000047;
	s6 =	sshll.u32 s7, $0x9  }
0xc: {  	s14 =	ssub.s32 $0x2, s7;
	s21 =	sadd.s32 s19, s3;
	s19 =	simm.s32 $0x200  }
0xd: {  	s7 =	simm.s32 $0xE200;
	s0 =	sadd.s32 $0x1000, s0;
	s5 =	sor.u32 s6, s5  }
0xe: {  	s16 =	sshrl.u32 s14, $0x1;
	s31 =	sshrl.u32 s21, $0x3;
	s21 =	simm.s32 $0x40  }
0xf: {  	[dreg:$0x5] =	wrdreg s0;
	s0 =	sor.u32 $0x1C01, s10;
	s6 =	sshrl.u32 s5, $0x3  }
0x10: {  	s5 =	sshll.u32 s5, $0x4;
	s10 =	simm.s32 $0x8200;
	[dreg:$0x6] =	wrdreg s0  }
0x11: {  	s11 =	sadd.s32 s1, s6;
	s6 =	sadd.s32 s4, s5;
	s1 =	ssub.s32 s14, s16  }
0x12: {  	s16 =	simm.s32 $0x2200;
	s14 =	simm.s32 $0x4200;
	[dreg:$0x7] =	wrdreg s11  }
0x13: {  	s12 =	sadd.s32 $0x400, s6;
	s22 =	smax.u32 s1, $0x1;
	s1 =	rddreg [dreg:$0x5]  }
0x14: {  	s5 =	simm.s32 $0x9;
	s13 =	sadd.s32 $0x800, s6;
	[dreg:$0x8] =	wrdreg s12  }
0x15: {  	s15 =	sadd.s32 $0xC00, s6;
	s17 =	sadd.s32 $0x1000, s6;
	[dreg:$0x9] =	wrdreg s13  }
0x16: {  	s18 =	sadd.s32 $0x1400, s6;
	[dreg:$0xa] =	wrdreg s15;
	p1 =	sne.s32 s22, $0x1  }
.Ltmp0:
0x17: {  	s20 =	sadd.s32 $0x1800, s6;
	[dreg:$0xb] =	wrdreg s17;
	(pc) =	sbr.rel @!p1 .LBB2_1-.Ltmp0, $4  }
0x18: {  	s4 =	sadd.s32 $0x1C00, s6;
	s11 =	simm.s32 $0x8;
	[dreg:$0xc] =	wrdreg s18  }
0x19: {  	[dreg:$0xd] =	wrdreg s20;
	s18 =	simm.s32 $0x1;
	s15 =	simm.s32 $0x2  }
0x1a: {  	s12 =	simm.s32 $0x6200;
	s0 =	sadd.s32 $0xFFFFFFFF, s22;
	s22 =	simm.s32 $0x4  }
0x1b: {  	s20 =	simm.s32 $0x5;
	s17 =	simm.s32 $0x6;
	s13 =	simm.s32 $0x7  }
0x1c: {  	s24 =	smov.u32 s0;
	s0 =	rddreg [dreg:$0x6]  }
0x1d: {  	[spmem:s31], [sflag:s0] =	dma.local [hbm:s1], $0x400  }
0x1e: {  	s0 =	rddreg [dreg:$0x7]  }
0x1f: {  	[tilespmem:s2], [sflag:$0x2] =	stream.linear.gather [hbm4b:s0+s2], $0x200, $0x38;
	[tilespmem:$0x12200] =	vst v63  }
0x20: {  	_ =	swait.ge [sflag:s18], $0x400  }
0x21: {  	[sflag:s18] =	ssyncset.done $0x0  }
0x22: {  	[sflag:s18] =	ssyncadd.s32 $0xFFFFFC00  }
0x23: {  	_ =	swait.ge [sflag:s15], $0x200  }
0x24: {  	[sflag:s15] =	ssyncset.done $0x0  }
0x25: {  	[sflag:s15] =	ssyncadd.s32 $0xFFFFFE00  }
0x26: {  	[bflag:$0x0] =	sbarrier.arrive $0xFFFF  }
0x27: {  	[tilespmem:s19], [sflag:$0x1] =	stream.indirect.gather [spmem:s3], $0x80, s2, s21, $0xb8;
	[tilespmem:$0x12200] =	vst v63  }
0x28: {  	_ = 	snop  }
0x29: {  	[tilespmem:s16], [sflag:$0x2] =	stream.indirect.gather [spmem:s3], $0x80, s21, s21, $0xb8;
	[tilespmem:$0x12200] =	vst v63  }
0x2a: {  	s1 =	simm.s32 $0x80  }
0x2b: {  	[tilespmem:s14], [sflag:$0x3] =	stream.indirect.gather [spmem:s3], $0x80, s1, s21, $0xb8;
	[tilespmem:$0x12200] =	vst v63  }
0x2c: {  	_ = 	snop  }
0x2d: {  	[tilespmem:s12], [sflag:$0x4] =	stream.indirect.gather [spmem:s3], $0x80, s26, s21, $0xb8;
	[tilespmem:$0x12200] =	vst v63  }
0x2e: {  	_ = 	snop  }
0x2f: {  	[tilespmem:s10], [sflag:$0x5] =	stream.indirect.gather [spmem:s3], $0x80, s28, s21, $0xb8;
	[tilespmem:$0x12200] =	vst v63  }
0x30: {  	_ = 	snop  }
0x31: {  	[tilespmem:s9], [sflag:$0x6] =	stream.indirect.gather [spmem:s3], $0x80, s29, s21, $0xb8;
	[tilespmem:$0x12200] =	vst v63  }
0x32: {  	_ = 	snop  }
0x33: {  	[tilespmem:s8], [sflag:$0x7] =	stream.indirect.gather [spmem:s3], $0x80, s30, s21, $0xb8;
	[tilespmem:$0x12200] =	vst v63  }
0x34: {  	_ = 	snop  }
0x35: {  	[tilespmem:s7], [sflag:$0x8] =	stream.indirect.gather [spmem:s3], $0x80, s25, s21, $0xb8;
	[tilespmem:$0x12200] =	vst v63  }
0x36: {  	_ =	swait.ge [sflag:s18], $0x2000  }
0x37: {  	[sflag:s18] =	ssyncset.done $0x0  }
0x38: {  	[sflag:s18] =	ssyncadd.s32 $0xFFFFE000  }
0x39: {  	[hbm4b:s6+s2] =	stream.linear.scatter [tilespmem:s19], [sflag:$0x9], $0x2000, $0x38;
	[tilespmem:$0x12200] =	vst v63  }
0x3a: {  	_ =	swait.ge [sflag:s15], $0x2000  }
0x3b: {  	[sflag:s15] =	ssyncset.done $0x0  }
0x3c: {  	s1 =	rddreg [dreg:$0x8];
	[sflag:s15] =	ssyncadd.s32 $0xFFFFE000  }
0x3d: {  	[hbm4b:s1+s2] =	stream.linear.scatter [tilespmem:s16], [sflag:$0x9], $0x2000, $0x38;
	[tilespmem:$0x12200] =	vst v63  }
0x3e: {  	_ =	swait.ge [sflag:s23], $0x2000  }
0x3f: {  	[sflag:s23] =	ssyncset.done $0x0  }
0x40: {  	s1 =	rddreg [dreg:$0x9];
	[sflag:s23] =	ssyncadd.s32 $0xFFFFE000  }
0x41: {  	[hbm4b:s1+s2] =	stream.linear.scatter [tilespmem:s14], [sflag:$0x9], $0x2000, $0x38;
	[tilespmem:$0x12200] =	vst v63  }
0x42: {  	_ =	swait.ge [sflag:s22], $0x2000  }
0x43: {  	[sflag:s22] =	ssyncset.done $0x0  }
0x44: {  	s1 =	rddreg [dreg:$0xa];
	[sflag:s22] =	ssyncadd.s32 $0xFFFFE000  }
0x45: {  	[hbm4b:s1+s2] =	stream.linear.scatter [tilespmem:s12], [sflag:$0x9], $0x2000, $0x38;
	[tilespmem:$0x12200] =	vst v63  }
0x46: {  	_ =	swait.ge [sflag:s20], $0x2000  }
0x47: {  	[sflag:s20] =	ssyncset.done $0x0  }
0x48: {  	s1 =	rddreg [dreg:$0xb];
	[sflag:s20] =	ssyncadd.s32 $0xFFFFE000  }
0x49: {  	[hbm4b:s1+s2] =	stream.linear.scatter [tilespmem:s10], [sflag:$0x9], $0x2000, $0x38;
	[tilespmem:$0x12200] =	vst v63  }
0x4a: {  	_ =	swait.ge [sflag:s17], $0x2000  }
0x4b: {  	[sflag:s17] =	ssyncset.done $0x0  }
0x4c: {  	s1 =	rddreg [dreg:$0xc];
	[sflag:s17] =	ssyncadd.s32 $0xFFFFE000  }
0x4d: {  	[hbm4b:s1+s2] =	stream.linear.scatter [tilespmem:s9], [sflag:$0x9], $0x2000, $0x38;
	[tilespmem:$0x12200] =	vst v63  }
0x4e: {  	_ =	swait.ge [sflag:s13], $0x2000  }
0x4f: {  	[sflag:s13] =	ssyncset.done $0x0  }
0x50: {  	s1 =	rddreg [dreg:$0xd];
	[sflag:s13] =	ssyncadd.s32 $0xFFFFE000  }
0x51: {  	[hbm4b:s1+s2] =	stream.linear.scatter [tilespmem:s8], [sflag:$0x9], $0x2000, $0x38;
	[tilespmem:$0x12200] =	vst v63  }
0x52: {  	_ =	swait.ge [sflag:s11], $0x2000  }
0x53: {  	[sflag:s11] =	ssyncset.done $0x0  }
0x54: {  	[sflag:s11] =	ssyncadd.s32 $0xFFFFE000  }
0x55: {  	[hbm4b:s4+s2] =	stream.linear.scatter [tilespmem:s7], [sflag:$0x9], $0x2000, $0x38;
	[tilespmem:$0x12200] =	vst v63  }
0x56: {  	_ =	swait.ge [sflag:s5], $0x2000  }
0x57: {  	[sflag:s5] =	ssyncset.done $0x0  }
0x58: {  	[sflag:s5] =	ssyncadd.s32 $0xFFFFE000  }
0x59: {  	_ =	swait.ge [sflag:s5], $0x2000  }
0x5a: {  	[sflag:s5] =	ssyncset.done $0x0  }
0x5b: {  	[sflag:s5] =	ssyncadd.s32 $0xFFFFE000  }
0x5c: {  	_ =	swait.ge [sflag:s5], $0x2000  }
0x5d: {  	[sflag:s5] =	ssyncset.done $0x0  }
0x5e: {  	[sflag:s5] =	ssyncadd.s32 $0xFFFFE000  }
0x5f: {  	_ =	swait.ge [sflag:s5], $0x2000  }
0x60: {  	[sflag:s5] =	ssyncset.done $0x0  }
0x61: {  	[sflag:s5] =	ssyncadd.s32 $0xFFFFE000  }
0x62: {  	_ =	swait.ge [sflag:s5], $0x2000  }
0x63: {  	[sflag:s5] =	ssyncset.done $0x0  }
0x64: {  	[sflag:s5] =	ssyncadd.s32 $0xFFFFE000  }
0x65: {  	_ =	swait.ge [sflag:s5], $0x2000  }
0x66: {  	[sflag:s5] =	ssyncset.done $0x0  }
0x67: {  	p1 =	sne.s32 s24, $0x1;
	[sflag:s5] =	ssyncadd.s32 $0xFFFFE000  }
.Ltmp1:
0x68: {  	_ =	swait.ge [sflag:s5], $0x2000;
	(pc) =	sbr.rel @!p1 .LBB2_3-.Ltmp1, $4  }
0x69: {  	[sflag:s5] =	ssyncset.done $0x0  }
0x6a: {  	[sflag:s5] =	ssyncadd.s32 $0xFFFFE000  }
0x6b: {  	p0 =	por $0x1, $0x1;
	_ =	swait.ge [sflag:s5], $0x2000  }
0x6c: {  	s0 =	sadd.s32 $0xFFFFFFFF, s24;
	s1 =	rddreg [dreg:$0x5];
	[sflag:s5] =	ssyncset.done $0x0  }
.LBB2_4:
0x6d: {  	s24 =	rddreg [dreg:$0x6];
	[sflag:s5] =	ssyncadd.s32 $0xFFFFE000  }
0x6e: {  	[spmem:s31], [sflag:s24] =	dma.local [hbm:s1], $0x400  }
0x6f: {  	s1 =	rddreg [dreg:$0x7]  }
0x70: {  	[tilespmem:s2], [sflag:$0x2] =	stream.linear.gather [hbm4b:s1+s2], $0x200, $0x38;
	[tilespmem:$0x12200] =	vst v63  }
0x71: {  	_ =	swait.ge [sflag:s18], $0x400  }
0x72: {  	[sflag:s18] =	ssyncset.done $0x0  }
0x73: {  	[sflag:s18] =	ssyncadd.s32 $0xFFFFFC00  }
0x74: {  	_ =	swait.ge [sflag:s15], $0x200  }
0x75: {  	[sflag:s15] =	ssyncset.done $0x0  }
0x76: {  	[sflag:s15] =	ssyncadd.s32 $0xFFFFFE00  }
0x77: {  	[bflag:$0x0] =	sbarrier.arrive $0xFFFF  }
0x78: {  	[tilespmem:s19], [sflag:$0x1] =	stream.indirect.gather [spmem:s3], $0x80, s2, s21, $0xb8;
	[tilespmem:$0x12200] =	vst v63  }
0x79: {  	_ = 	snop  }
0x7a: {  	[tilespmem:s16], [sflag:$0x2] =	stream.indirect.gather [spmem:s3], $0x80, s21, s21, $0xb8;
	[tilespmem:$0x12200] =	vst v63  }
0x7b: {  	s24 =	simm.s32 $0x80  }
0x7c: {  	[tilespmem:s14], [sflag:$0x3] =	stream.indirect.gather [spmem:s3], $0x80, s24, s21, $0xb8;
	[tilespmem:$0x12200] =	vst v63  }
0x7d: {  	_ = 	snop  }
0x7e: {  	[tilespmem:s12], [sflag:$0x4] =	stream.indirect.gather [spmem:s3], $0x80, s26, s21, $0xb8;
	[tilespmem:$0x12200] =	vst v63  }
0x7f: {  	_ = 	snop  }
0x80: {  	[tilespmem:s10], [sflag:$0x5] =	stream.indirect.gather [spmem:s3], $0x80, s28, s21, $0xb8;
	[tilespmem:$0x12200] =	vst v63  }
0x81: {  	_ = 	snop  }
0x82: {  	[tilespmem:s9], [sflag:$0x6] =	stream.indirect.gather [spmem:s3], $0x80, s29, s21, $0xb8;
	[tilespmem:$0x12200] =	vst v63  }
0x83: {  	_ = 	snop  }
0x84: {  	[tilespmem:s8], [sflag:$0x7] =	stream.indirect.gather [spmem:s3], $0x80, s30, s21, $0xb8;
	[tilespmem:$0x12200] =	vst v63  }
0x85: {  	_ = 	snop  }
0x86: {  	[tilespmem:s7], [sflag:$0x8] =	stream.indirect.gather [spmem:s3], $0x80, s25, s21, $0xb8;
	[tilespmem:$0x12200] =	vst v63  }
0x87: {  	_ =	swait.ge [sflag:s18], $0x2000  }
0x88: {  	[sflag:s18] =	ssyncset.done $0x0  }
0x89: {  	[sflag:s18] =	ssyncadd.s32 $0xFFFFE000  }
0x8a: {  	[hbm4b:s6+s2] =	stream.linear.scatter [tilespmem:s19], [sflag:$0x9], $0x2000, $0x38;
	[tilespmem:$0x12200] =	vst v63  }
0x8b: {  	_ =	swait.ge [sflag:s15], $0x2000  }
0x8c: {  	[sflag:s15] =	ssyncset.done $0x0  }
0x8d: {  	s24 =	rddreg [dreg:$0x8];
	[sflag:s15] =	ssyncadd.s32 $0xFFFFE000  }
0x8e: {  	[hbm4b:s24+s2] =	stream.linear.scatter [tilespmem:s16], [sflag:$0x9], $0x2000, $0x38;
	[tilespmem:$0x12200] =	vst v63  }
0x8f: {  	_ =	swait.ge [sflag:s23], $0x2000  }
0x90: {  	[sflag:s23] =	ssyncset.done $0x0  }
0x91: {  	s24 =	rddreg [dreg:$0x9];
	[sflag:s23] =	ssyncadd.s32 $0xFFFFE000  }
0x92: {  	[hbm4b:s24+s2] =	stream.linear.scatter [tilespmem:s14], [sflag:$0x9], $0x2000, $0x38;
	[tilespmem:$0x12200] =	vst v63  }
0x93: {  	_ =	swait.ge [sflag:s22], $0x2000  }
0x94: {  	[sflag:s22] =	ssyncset.done $0x0  }
0x95: {  	s24 =	rddreg [dreg:$0xa];
	[sflag:s22] =	ssyncadd.s32 $0xFFFFE000  }
0x96: {  	[hbm4b:s24+s2] =	stream.linear.scatter [tilespmem:s12], [sflag:$0x9], $0x2000, $0x38;
	[tilespmem:$0x12200] =	vst v63  }
0x97: {  	_ =	swait.ge [sflag:s20], $0x2000  }
0x98: {  	[sflag:s20] =	ssyncset.done $0x0  }
0x99: {  	s24 =	rddreg [dreg:$0xb];
	[sflag:s20] =	ssyncadd.s32 $0xFFFFE000  }
0x9a: {  	[hbm4b:s24+s2] =	stream.linear.scatter [tilespmem:s10], [sflag:$0x9], $0x2000, $0x38;
	[tilespmem:$0x12200] =	vst v63  }
0x9b: {  	_ =	swait.ge [sflag:s17], $0x2000  }
0x9c: {  	[sflag:s17] =	ssyncset.done $0x0  }
0x9d: {  	s24 =	rddreg [dreg:$0xc];
	[sflag:s17] =	ssyncadd.s32 $0xFFFFE000  }
0x9e: {  	[hbm4b:s24+s2] =	stream.linear.scatter [tilespmem:s9], [sflag:$0x9], $0x2000, $0x38;
	[tilespmem:$0x12200] =	vst v63  }
0x9f: {  	_ =	swait.ge [sflag:s13], $0x2000  }
0xa0: {  	[sflag:s13] =	ssyncset.done $0x0  }
0xa1: {  	s24 =	rddreg [dreg:$0xd];
	[sflag:s13] =	ssyncadd.s32 $0xFFFFE000  }
0xa2: {  	[hbm4b:s24+s2] =	stream.linear.scatter [tilespmem:s8], [sflag:$0x9], $0x2000, $0x38;
	[tilespmem:$0x12200] =	vst v63  }
0xa3: {  	_ =	swait.ge [sflag:s11], $0x2000  }
0xa4: {  	[sflag:s11] =	ssyncset.done $0x0  }
0xa5: {  	[sflag:s11] =	ssyncadd.s32 $0xFFFFE000  }
0xa6: {  	[hbm4b:s4+s2] =	stream.linear.scatter [tilespmem:s7], [sflag:$0x9], $0x2000, $0x38;
	[tilespmem:$0x12200] =	vst v63  }
0xa7: {  	_ =	swait.ge [sflag:s5], $0x2000  }
0xa8: {  	[sflag:s5] =	ssyncset.done $0x0  }
0xa9: {  	[sflag:s5] =	ssyncadd.s32 $0xFFFFE000  }
0xaa: {  	_ =	swait.ge [sflag:s5], $0x2000  }
0xab: {  	[sflag:s5] =	ssyncset.done $0x0  }
0xac: {  	[sflag:s5] =	ssyncadd.s32 $0xFFFFE000  }
0xad: {  	_ =	swait.ge [sflag:s5], $0x2000  }
0xae: {  	[sflag:s5] =	ssyncset.done $0x0  }
0xaf: {  	[sflag:s5] =	ssyncadd.s32 $0xFFFFE000  }
0xb0: {  	_ =	swait.ge [sflag:s5], $0x2000  }
0xb1: {  	[sflag:s5] =	ssyncset.done $0x0  }
0xb2: {  	[sflag:s5] =	ssyncadd.s32 $0xFFFFE000  }
0xb3: {  	_ =	swait.ge [sflag:s5], $0x2000  }
0xb4: {  	[sflag:s5] =	ssyncset.done $0x0  }
0xb5: {  	[sflag:s5] =	ssyncadd.s32 $0xFFFFE000  }
0xb6: {  	_ =	swait.ge [sflag:s5], $0x2000  }
0xb7: {  	[sflag:s5] =	ssyncset.done $0x0  }
0xb8: {  	p1 =	sne.s32 s0, $0x1;
	[sflag:s5] =	ssyncadd.s32 $0xFFFFE000  }
.Ltmp2:
0xb9: {  	_ =	swait.ge [sflag:s5], $0x2000;
	(pc) =	sbr.rel @p1 .LBB2_4-.Ltmp2, $4  }
0xba: {  	[sflag:s5] =	ssyncset.done $0x0  }
0xbb: {  	[sflag:s5] =	ssyncadd.s32 $0xFFFFE000  }
0xbc: {  	_ =	swait.ge [sflag:s5], $0x2000  }
0xbd: {  	s0 =	sadd.s32 $0xFFFFFFFF, s0;
	s1 =	rddreg [dreg:$0x5];
	[sflag:s5] =	ssyncset.done $0x0  }
0xbe: {  	s30 =	simm.s32 $0x180;
	s29 =	simm.s32 $0x140;
	s28 =	simm.s32 $0x100  }
0xbf: {  	s26 =	simm.s32 $0xC0;
	s25 =	simm.s32 $0x80;
	s24 =	rddreg [dreg:$0x4]  }
.LBB2_6:
0xc0: {  	s0 =	rddreg [dreg:$0x6];
	[sflag:s5] =	ssyncadd.s32 @p0 $0xFFFFE000  }
0xc1: {  	[spmem:s31], [sflag:s0] =	dma.local [hbm:s1], $0x400  }
0xc2: {  	s0 =	rddreg [dreg:$0x7]  }
0xc3: {  	[tilespmem:s2], [sflag:$0x2] =	stream.linear.gather [hbm4b:s0+s2], $0x200, $0x38;
	[tilespmem:$0x12200] =	vst v63  }
0xc4: {  	_ =	swait.ge [sflag:s18], $0x400  }
0xc5: {  	[sflag:s18] =	ssyncset.done $0x0  }
0xc6: {  	[sflag:s18] =	ssyncadd.s32 $0xFFFFFC00  }
0xc7: {  	_ =	swait.ge [sflag:s15], $0x200  }
0xc8: {  	[sflag:s15] =	ssyncset.done $0x0  }
0xc9: {  	[sflag:s15] =	ssyncadd.s32 $0xFFFFFE00  }
0xca: {  	[bflag:$0x0] =	sbarrier.arrive $0xFFFF  }
0xcb: {  	[tilespmem:s19], [sflag:$0x1] =	stream.indirect.gather [spmem:s3], $0x80, s2, s21, $0xb8;
	[tilespmem:$0x12200] =	vst v63  }
0xcc: {  	_ = 	snop  }
0xcd: {  	[tilespmem:s16], [sflag:$0x2] =	stream.indirect.gather [spmem:s3], $0x80, s21, s21, $0xb8;
	[tilespmem:$0x12200] =	vst v63  }
0xce: {  	_ = 	snop  }
0xcf: {  	[tilespmem:s14], [sflag:$0x3] =	stream.indirect.gather [spmem:s3], $0x80, s25, s21, $0xb8;
	[tilespmem:$0x12200] =	vst v63  }
0xd0: {  	_ = 	snop  }
0xd1: {  	[tilespmem:s12], [sflag:$0x4] =	stream.indirect.gather [spmem:s3], $0x80, s26, s21, $0xb8;
	[tilespmem:$0x12200] =	vst v63  }
0xd2: {  	_ = 	snop  }
0xd3: {  	[tilespmem:s10], [sflag:$0x5] =	stream.indirect.gather [spmem:s3], $0x80, s28, s21, $0xb8;
	[tilespmem:$0x12200] =	vst v63  }
0xd4: {  	_ = 	snop  }
0xd5: {  	[tilespmem:s9], [sflag:$0x6] =	stream.indirect.gather [spmem:s3], $0x80, s29, s21, $0xb8;
	[tilespmem:$0x12200] =	vst v63  }
0xd6: {  	_ = 	snop  }
0xd7: {  	[tilespmem:s8], [sflag:$0x7] =	stream.indirect.gather [spmem:s3], $0x80, s30, s21, $0xb8;
	[tilespmem:$0x12200] =	vst v63  }
0xd8: {  	s1 =	simm.s32 $0x1C0  }
0xd9: {  	[tilespmem:s7], [sflag:$0x8] =	stream.indirect.gather [spmem:s3], $0x80, s1, s21, $0xb8;
	[tilespmem:$0x12200] =	vst v63  }
0xda: {  	_ =	swait.ge [sflag:s18], $0x2000  }
0xdb: {  	[sflag:s18] =	ssyncset.done $0x0  }
0xdc: {  	[sflag:s18] =	ssyncadd.s32 $0xFFFFE000  }
0xdd: {  	[hbm4b:s6+s2] =	stream.linear.scatter [tilespmem:s19], [sflag:$0x9], $0x2000, $0x38;
	[tilespmem:$0x12200] =	vst v63  }
0xde: {  	_ =	swait.ge [sflag:s15], $0x2000  }
0xdf: {  	[sflag:s15] =	ssyncset.done $0x0  }
0xe0: {  	s21 =	rddreg [dreg:$0x8];
	[sflag:s15] =	ssyncadd.s32 $0xFFFFE000  }
0xe1: {  	[hbm4b:s21+s2] =	stream.linear.scatter [tilespmem:s16], [sflag:$0x9], $0x2000, $0x38;
	[tilespmem:$0x12200] =	vst v63  }
0xe2: {  	_ =	swait.ge [sflag:s23], $0x2000  }
0xe3: {  	[sflag:s23] =	ssyncset.done $0x0  }
0xe4: {  	s25 =	rddreg [dreg:$0x9];
	[sflag:s23] =	ssyncadd.s32 $0xFFFFE000  }
0xe5: {  	[hbm4b:s25+s2] =	stream.linear.scatter [tilespmem:s14], [sflag:$0x9], $0x2000, $0x38;
	[tilespmem:$0x12200] =	vst v63  }
0xe6: {  	_ =	swait.ge [sflag:s22], $0x2000  }
0xe7: {  	[sflag:s22] =	ssyncset.done $0x0  }
0xe8: {  	s26 =	rddreg [dreg:$0xa];
	[sflag:s22] =	ssyncadd.s32 $0xFFFFE000  }
0xe9: {  	[hbm4b:s26+s2] =	stream.linear.scatter [tilespmem:s12], [sflag:$0x9], $0x2000, $0x38;
	[tilespmem:$0x12200] =	vst v63  }
0xea: {  	_ =	swait.ge [sflag:s20], $0x2000  }
0xeb: {  	[sflag:s20] =	ssyncset.done $0x0  }
0xec: {  	s28 =	rddreg [dreg:$0xb];
	[sflag:s20] =	ssyncadd.s32 $0xFFFFE000  }
0xed: {  	[hbm4b:s28+s2] =	stream.linear.scatter [tilespmem:s10], [sflag:$0x9], $0x2000, $0x38;
	[tilespmem:$0x12200] =	vst v63  }
0xee: {  	_ =	swait.ge [sflag:s17], $0x2000  }
0xef: {  	[sflag:s17] =	ssyncset.done $0x0  }
0xf0: {  	s29 =	rddreg [dreg:$0xc];
	[sflag:s17] =	ssyncadd.s32 $0xFFFFE000  }
0xf1: {  	[hbm4b:s29+s2] =	stream.linear.scatter [tilespmem:s9], [sflag:$0x9], $0x2000, $0x38;
	[tilespmem:$0x12200] =	vst v63  }
0xf2: {  	_ =	swait.ge [sflag:s13], $0x2000  }
0xf3: {  	[sflag:s13] =	ssyncset.done $0x0  }
0xf4: {  	s30 =	rddreg [dreg:$0xd];
	[sflag:s13] =	ssyncadd.s32 $0xFFFFE000  }
0xf5: {  	[hbm4b:s30+s2] =	stream.linear.scatter [tilespmem:s8], [sflag:$0x9], $0x2000, $0x38;
	[tilespmem:$0x12200] =	vst v63  }
0xf6: {  	_ =	swait.ge [sflag:s11], $0x2000  }
0xf7: {  	[sflag:s11] =	ssyncset.done $0x0  }
0xf8: {  	[sflag:s11] =	ssyncadd.s32 $0xFFFFE000  }
0xf9: {  	[hbm4b:s4+s2] =	stream.linear.scatter [tilespmem:s7], [sflag:$0x9], $0x2000, $0x38;
	[tilespmem:$0x12200] =	vst v63  }
0xfa: {  	_ =	swait.ge [sflag:s5], $0x2000  }
0xfb: {  	[sflag:s5] =	ssyncset.done $0x0  }
0xfc: {  	[sflag:s5] =	ssyncadd.s32 $0xFFFFE000  }
0xfd: {  	_ =	swait.ge [sflag:s5], $0x2000  }
0xfe: {  	[sflag:s5] =	ssyncset.done $0x0  }
0xff: {  	[sflag:s5] =	ssyncadd.s32 $0xFFFFE000  }
0x100: {  	_ =	swait.ge [sflag:s5], $0x2000  }
0x101: {  	[sflag:s5] =	ssyncset.done $0x0  }
0x102: {  	[sflag:s5] =	ssyncadd.s32 $0xFFFFE000  }
0x103: {  	_ =	swait.ge [sflag:s5], $0x2000  }
0x104: {  	[sflag:s5] =	ssyncset.done $0x0  }
0x105: {  	[sflag:s5] =	ssyncadd.s32 $0xFFFFE000  }
0x106: {  	_ =	swait.ge [sflag:s5], $0x2000  }
0x107: {  	[sflag:s5] =	ssyncset.done $0x0  }
0x108: {  	[sflag:s5] =	ssyncadd.s32 $0xFFFFE000  }
0x109: {  	_ =	swait.ge [sflag:s5], $0x2000  }
0x10a: {  	[sflag:s5] =	ssyncset.done $0x0  }
0x10b: {  	[sflag:s5] =	ssyncadd.s32 $0xFFFFE000  }
0x10c: {  	_ =	swait.ge [sflag:s5], $0x2000  }
0x10d: {  	[sflag:s5] =	ssyncset.done $0x0  }
0x10e: {  	[sflag:s5] =	ssyncadd.s32 $0xFFFFE000  }
0x10f: {  	_ =	swait.ge [sflag:s5], $0x2000  }
0x110: {  	[sflag:s5] =	ssyncset.done $0x0  }
0x111: {  	[sflag:s5] =	ssyncadd.s32 $0xFFFFE000  }
0x112: {  	_ =	sfence.sel $0x180000  }
0x113: {  	s31 =	stileid.u32;
	[bflag:$0x0] =	sbarrier.arrive $0xFFFF  }
0x114: {  	p0 =	sne.s32 s31, $0x0;
	_ =	strace $0x90000047  }
0x115: {  	s0 =	sadd.s32 @!p0 $0x100000, s24;
	[bflag:$0x2] =	sbarrier.arrive $0xFFFF  }
0x116: {  	[sflag:s0] =	ssyncadd.tile.s32 @!p0 $0x1;
	_ =	shalt  }
.LBB2_1:
.Ltmp3:
0x117: {  	(pc) =	sbr.rel .LBB2_6-.Ltmp3, $3  }
0x118: {  	_ =	sdelay $0x1  }
0x119: {  	s30 =	simm.s32 $0x180;
	s29 =	simm.s32 $0x140  }
0x11a: {  	s28 =	simm.s32 $0x100;
	s26 =	simm.s32 $0xC0;
	s25 =	simm.s32 $0x80  }
.LBB2_3:
.Ltmp4:
0x11b: {  	(pc) =	sbr.rel .LBB2_6-.Ltmp4, $3  }
0x11c: {  	_ =	sdelay $0x1  }
0x11d: {  	s30 =	simm.s32 $0x180;
	s29 =	simm.s32 $0x140;
	s28 =	simm.s32 $0x100  }
0x11e: {  	s26 =	simm.s32 $0xC0;
	s25 =	simm.s32 $0x80;
	s24 =	rddreg [dreg:$0x4]  }
.Lfunc_end2:
_tile_overlayer_lowered:
.L_overlay_start_2:
0x11f: {  	(tag) =	ssettag $0x2  }
0x120: {  	s0 =	rddreg [dreg:$0x0];
	s2 =	stileid.u32  }
0x121: {  	s1 =	rddreg [dreg:$0x1];
	p0 =	sne.s32 s2, $0x0  }
0x122: {  	s3 =	rddreg [dreg:$0x2];
	[bflag:$0x3] =	sbarrier.arrive $0xFFFF;
	s2 =	simm.s32 @!p0 $0x1C0A  }
0x123: {  	[timem:s3], [sflag:s2] =	dma.local @!p0 [hbm:s0], s1  }
0x124: {  	s0 =	simm.s32 @!p0 $0xA  }
0x125: {  	_ =	swait.ge @!p0 [sflag:s0], s1  }
0x126: {  	s1 =	ssub.s32 @!p0 $0x0, s1;
	[sflag:s0] =	ssyncset.done @!p0 $0x0  }
0x127: {  	[sflag:s0] =	ssyncadd.s32 @!p0 s1  }
0x128: {  	[bflag:$0x3] =	sbarrier.arrive $0xFFFF  }
0x129: {  	_ =	shalt  }

</sc_bundles>
